<compile_context>
chip_gen: v7x
topology: tpu7x:2x2x1
jax: 0.10.2.dev20260603
libtpu: 0.0.44.dev20260713+nightly
codegen_flags: <defaults>
</compile_context>

<pallas_src>
import functools

import jax
import jax.numpy as jnp
from jax import lax
from jax.experimental import pallas as pl
from jax.experimental.pallas import tpu as pltpu
from jax.experimental.pallas import tpu_sc as plsc

_NUM_CODES = 8192
_CODE_DIM = 64
_ROW_BLOCK = 512
_CHUNK = 2048
_N_ROWS = 9216
_NW = 32
_ROWS_PER_W = _N_ROWS // _NW
_GCHUNK = 96


def _distance_argmin_body(z_ref, cbt_ref, zsq_ref, csq_ref, codes_ref, dsel_ref):
    z_bf = z_ref[...].astype(jnp.bfloat16)
    m = jnp.dot(z_bf, cbt_ref[...], preferred_element_type=jnp.float32)
    d = (zsq_ref[...] + csq_ref[...]) - 2.0 * m

    accv = None
    for k in range(_NUM_CODES // _CHUNK):
        dk = d[:, k * _CHUNK:(k + 1) * _CHUNK]
        mv = jnp.min(dk, axis=1)
        iota = jax.lax.broadcasted_iota(jnp.int32, dk.shape, 1) + k * _CHUNK
        mi = jnp.min(jnp.where(dk == mv[:, None], iota, _NUM_CODES), axis=1)
        if accv is None:
            acci, dval = mi, mv
        else:
            upd = mv < accv
            acci = jnp.where(upd, mi, acci)
            dval = jnp.where(upd, mv, dval)
        accv = (mv if accv is None else jnp.where(upd, mv, accv)) \
            .astype(jnp.bfloat16).astype(jnp.float32)
    codes_ref[...] = acci
    dsel_ref[...] = dval


def _sc_gather_hist_body(cb_hbm, codes_hbm, z_hbm, zq_hbm, hist_hbm,
                         idx_v, rows_v, zrows_v, hist_v, sem):
    wid = lax.axis_index("s") * 2 + lax.axis_index("c")
    base = wid * _ROWS_PER_W
    pltpu.sync_copy(codes_hbm.at[pl.ds(base, _ROWS_PER_W)], idx_v)
    zcopy = pltpu.async_copy(z_hbm.at[pl.ds(base, _ROWS_PER_W)], zrows_v, sem)

    copies = []
    for j in range(_ROWS_PER_W // _GCHUNK):
        copies.append(pltpu.async_copy(
            cb_hbm.at[idx_v.at[pl.ds(j * _GCHUNK, _GCHUNK)]],
            rows_v.at[pl.ds(j * _GCHUNK, _GCHUNK)], sem))

    zeros16 = jnp.zeros((16,), jnp.float32)
    def _zero(i, _):
        hist_v[i, :] = zeros16
        return 0
    lax.fori_loop(0, _NUM_CODES // 16, _zero, 0)
    lane = lax.broadcasted_iota(jnp.int32, (16,), 0)
    def _count(t, _):
        cvec = idx_v[pl.ds(t * 16, 16)]
        for j in range(16):
            c = cvec[j]
            r = lax.shift_right_logical(c, 4)
            l = lax.bitwise_and(c, 15)
            row = hist_v[r, :]
            hist_v[r, :] = jnp.where(lane == l, row + 1.0, row)
        return 0
    lax.fori_loop(0, _ROWS_PER_W // 16, _count, 0)

    zcopy.wait()
    for c in copies:
        c.wait()
    def _st(r, _):
        for j in range(_CODE_DIM // 16):
            sl = pl.ds(j * 16, 16)
            q = rows_v[r, sl]
            zz = zrows_v[r, sl]
            rows_v[r, sl] = zz + (q - zz)
        return 0
    lax.fori_loop(0, _ROWS_PER_W, _st, 0)
    pltpu.sync_copy(rows_v, zq_hbm.at[pl.ds(base, _ROWS_PER_W)])
    pltpu.sync_copy(hist_v, hist_hbm.at[wid])


@functools.partial(
    pl.kernel,
    mesh=plsc.VectorSubcoreMesh(core_axis_name="c", subcore_axis_name="s"),
    compiler_params=pltpu.CompilerParams(use_tc_tiling_on_sc=False),
    out_type=[
        jax.ShapeDtypeStruct((_N_ROWS, _CODE_DIM), jnp.float32),
        jax.ShapeDtypeStruct((_NW, _NUM_CODES // 16, 16), jnp.float32),
    ],
    scratch_types=[
        pltpu.VMEM((_ROWS_PER_W,), jnp.int32),
        pltpu.VMEM((_ROWS_PER_W, _CODE_DIM), jnp.float32),
        pltpu.VMEM((_ROWS_PER_W, _CODE_DIM), jnp.float32),
        pltpu.VMEM((_NUM_CODES // 16, 16), jnp.float32),
        pltpu.SemaphoreType.DMA,
    ],
)
def _sc_gather_hist(cb_hbm, codes_hbm, z_hbm, zq_hbm, hist_hbm,
                    idx_v, rows_v, zrows_v, hist_v, sem):
    _sc_gather_hist_body(cb_hbm, codes_hbm, z_hbm, zq_hbm, hist_hbm,
                         idx_v, rows_v, zrows_v, hist_v, sem)


def _loss_body(dsel_ref, loss_ref):
    cb = jnp.sum(dsel_ref[...]) / float(_N_ROWS * _CODE_DIM)
    loss_ref[...] = jnp.full((1, 128), cb, jnp.float32)


def _usage_body(hist_ref, usage_ref):
    usage_ref[...] = jnp.sum(hist_ref[...], axis=0)


def kernel(z, codebook):
    B, S, D = z.shape
    n = B * S
    z_flat = z.reshape(-1, D)
    zsq = jnp.sum(z ** 2, axis=2).reshape(-1, 1)
    csq = jnp.sum(codebook ** 2, axis=1).reshape(1, _NUM_CODES)
    cbt = codebook.T.astype(jnp.bfloat16)

    grid = n // _ROW_BLOCK
    codes_flat, dsel = pl.pallas_call(
        _distance_argmin_body,
        grid=(grid,),
        in_specs=[
            pl.BlockSpec((_ROW_BLOCK, D), lambda i: (i, 0)),
            pl.BlockSpec((D, _NUM_CODES), lambda i: (0, 0)),
            pl.BlockSpec((_ROW_BLOCK, 1), lambda i: (i, 0)),
            pl.BlockSpec((1, _NUM_CODES), lambda i: (0, 0)),
        ],
        out_specs=[
            pl.BlockSpec((_ROW_BLOCK,), lambda i: (i,)),
            pl.BlockSpec((_ROW_BLOCK,), lambda i: (i,)),
        ],
        out_shape=[
            jax.ShapeDtypeStruct((n,), jnp.int32),
            jax.ShapeDtypeStruct((n,), jnp.float32),
        ],
    )(z_flat, cbt, zsq, csq)

    lossv = pl.pallas_call(
        _loss_body,
        in_specs=[pl.BlockSpec((n,), lambda: (0,))],
        out_specs=pl.BlockSpec((1, 128), lambda: (0, 0)),
        out_shape=jax.ShapeDtypeStruct((1, 128), jnp.float32),
    )(dsel)

    zq_st_flat, hist3 = _sc_gather_hist(codebook, codes_flat, z_flat)
    hist = hist3.reshape(_NW, _NUM_CODES)

    usage = pl.pallas_call(
        _usage_body,
        in_specs=[pl.BlockSpec((_NW, _NUM_CODES), lambda: (0, 0))],
        out_specs=pl.BlockSpec((_NUM_CODES,), lambda: (0,)),
        out_shape=jax.ShapeDtypeStruct((_NUM_CODES,), jnp.float32),
    )(hist)

    codes = codes_flat.reshape(B, S)
    codebook_loss = lossv[0, 0]
    commitment_loss = codebook_loss * 0.25
    total_vq = codebook_loss + commitment_loss
    z_q_st = zq_st_flat.reshape(B, S, D)
    return (z_q_st, codes, codebook_loss, commitment_loss, total_vq, usage)

# --- scband reference (transcript-rebuilt; emitter-appended) ---
"""Pipeline reference for scband-vqcodebook-27668179321218 (READ-ONLY COPY).

The authoritative reference and input builder live on the scoring server;
editing this copy changes nothing except your own understanding.
"""

import jax, jax.numpy as jnp
import numpy as np

NUM_CODES = 8192
CODE_DIM = 64
COMMITMENT_COST = 0.25

def setup_inputs(seed: int = 0) -> dict:
    key = jax.random.key(seed)
    k1, k2 = jax.random.split(key)
    z = jax.random.normal(k1, (16, 576, CODE_DIM), dtype=jnp.float32)
    codebook = jax.random.uniform(k2, (NUM_CODES, CODE_DIM), minval=-1.0 / NUM_CODES, maxval=1.0 / NUM_CODES, dtype=jnp.float32)
    return {"z": z, "codebook": codebook}

def reference(z, codebook):
    B, S, D = z.shape
    z_flat = z.reshape(-1, D)
    z_squared = jnp.sum(z_flat ** 2, axis=1, keepdims=True)
    codebook_squared = jnp.sum(codebook ** 2, axis=1)
    distances = z_squared + codebook_squared - 2.0 * jnp.matmul(z_flat, codebook.T)
    codes_flat = jnp.argmin(distances, axis=1)
    z_q_flat = jnp.take(codebook, codes_flat, axis=0)
    z_q = z_q_flat.reshape(B, S, D)
    codes = codes_flat.reshape(B, S)
    codebook_loss = jnp.mean((jax.lax.stop_gradient(z_q) - z) ** 2)
    commitment_loss = jnp.mean((z_q - jax.lax.stop_gradient(z)) ** 2) * COMMITMENT_COST
    z_q_st = z + jax.lax.stop_gradient(z_q - z)
    code_usage = jnp.bincount(codes_flat, length=NUM_CODES).astype(jnp.float32)
    total_vq = codebook_loss + commitment_loss
    return (z_q_st, codes, codebook_loss, commitment_loss, total_vq, code_usage)

if __name__ == "__main__":
    import jax
    _d = setup_inputs()
    print(jax.jit(kernel)(*tuple(_d.values())))

</pallas_src>

<mosaic_0001>
#map = affine_map<(d0, d1) -> (0, 0)>
#map1 = affine_map<(d0, d1) -> (0)>
#map2 = affine_map<(d0, d1) -> (0, 0, 0)>
module attributes {stable_mosaic.version = 14 : i64} {
  func.func @_sc_gather_hist(%arg0: i32, %arg1: i32, %arg2: memref<8192x64xf32, #tpu.memory_space<hbm>>, %arg3: memref<9216xi32, #tpu.memory_space<hbm>>, %arg4: memref<9216x64xf32, #tpu.memory_space<hbm>>, %arg5: memref<9216x64xf32, #tpu.memory_space<hbm>>, %arg6: memref<32x512x16xf32, #tpu.memory_space<hbm>>, %arg7: memref<288xi32, #tpu.memory_space<vmem>>, %arg8: memref<288x64xf32, #tpu.memory_space<vmem>>, %arg9: memref<288x64xf32, #tpu.memory_space<vmem>>, %arg10: memref<512x16xf32, #tpu.memory_space<vmem>>, %arg11: memref<!tpu.dma_semaphore, #tpu.memory_space<semaphore_mem>>) attributes {dimension_semantics = [#tpu.dimension_semantics<core_parallel>, #tpu.dimension_semantics<subcore_parallel>], iteration_bounds = array<i64: 2, 16>, scalar_prefetch = 0 : i64, scratch_operands = 5 : i64, tpu.core_type = #tpu.core_type<sc_vector_subcore>, window_params = [{transform_indices = #map}, {transform_indices = #map1}, {transform_indices = #map}, {transform_indices = #map}, {transform_indices = #map2}]} {
    %mul3A = arith.constant 2 : i32
    %mul3A_0 = arith.muli %arg1, %mul3A : i32
    %add3A = arith.addi %mul3A_0, %arg0 : i32
    %mul3A_1 = arith.constant 288 : i32
    %mul3A_2 = arith.muli %add3A, %mul3A_1 : i32
    "tpu.region"() ({
      %run_scoped3A = tpu.sem_alloc : memref<!tpu.dma_semaphore, #tpu.memory_space<semaphore_mem>>
      %dma_start3A_78 = tpu.memref_slice %arg3[%mul3A_2] : memref<9216xi32, #tpu.memory_space<hbm>> -> memref<288xi32, #tpu.memory_space<hbm>>
      %dma_start3A_79 = tpu.memref_slice %arg3[%mul3A_2] : memref<9216xi32, #tpu.memory_space<hbm>> -> memref<288xi32, #tpu.memory_space<hbm>>
      tpu.enqueue_dma source(%dma_start3A_79 : memref<288xi32, #tpu.memory_space<hbm>>) target(%arg7 : memref<288xi32, #tpu.memory_space<vmem>>) target_semaphore(%run_scoped3A : memref<!tpu.dma_semaphore, #tpu.memory_space<semaphore_mem>>)
      %dma_wait3A_80 = tpu.memref_slice %arg3[%mul3A_2] : memref<9216xi32, #tpu.memory_space<hbm>> -> memref<288xi32, #tpu.memory_space<hbm>>
      %dma_wait3A_81 = tpu.memref_slice %arg3[%mul3A_2] : memref<9216xi32, #tpu.memory_space<hbm>> -> memref<288xi32, #tpu.memory_space<hbm>>
      tpu.wait_dma2 semaphore(%run_scoped3A : memref<!tpu.dma_semaphore, #tpu.memory_space<semaphore_mem>>) src(%dma_wait3A_81 : memref<288xi32, #tpu.memory_space<hbm>>) dst(%arg7 : memref<288xi32, #tpu.memory_space<vmem>>)
      tpu.yield
    }) : () -> ()
    %dma_start3A = arith.constant 0 : i32
    %dma_start3A_3 = tpu.memref_slice %arg4[%mul3A_2, %dma_start3A] : memref<9216x64xf32, #tpu.memory_space<hbm>> -> memref<288x64xf32, #tpu.memory_space<hbm>>
    %dma_start3A_4 = arith.constant 0 : i32
    %dma_start3A_5 = tpu.memref_slice %arg4[%mul3A_2, %dma_start3A_4] : memref<9216x64xf32, #tpu.memory_space<hbm>> -> memref<288x64xf32, #tpu.memory_space<hbm>>
    tpu.enqueue_dma source(%dma_start3A_5 : memref<288x64xf32, #tpu.memory_space<hbm>>) target(%arg9 : memref<288x64xf32, #tpu.memory_space<vmem>>) target_semaphore(%arg11 : memref<!tpu.dma_semaphore, #tpu.memory_space<semaphore_mem>>)
    %dma_start3A_6 = arith.constant 0 : i32
    %dma_start3A_7 = arith.constant 0 : i32
    %dma_start3A_8 = tpu.memref_slice %arg8[%dma_start3A_6, %dma_start3A_7] : memref<288x64xf32, #tpu.memory_space<vmem>> -> memref<96x64xf32, #tpu.memory_space<vmem>>
    %dma_start3A_9 = arith.constant 0 : i32
    %dma_start3A_10 = tpu.memref_slice %arg7[%dma_start3A_9] : memref<288xi32, #tpu.memory_space<vmem>> -> memref<96xi32, #tpu.memory_space<vmem>>
    %dma_start3A_11 = arith.constant 0 : i32
    %dma_start3A_12 = arith.constant 0 : i32
    %dma_start3A_13 = tpu.memref_slice %arg2[%dma_start3A_11, %dma_start3A_12] : memref<8192x64xf32, #tpu.memory_space<hbm>> -> memref<8192x64xf32, #tpu.memory_space<hbm>>
    tpu.enqueue_indirect_dma source(%dma_start3A_13 : memref<8192x64xf32, #tpu.memory_space<hbm>>) target(%dma_start3A_8 : memref<96x64xf32, #tpu.memory_space<vmem>>) offsets(%dma_start3A_10 : memref<96xi32, #tpu.memory_space<vmem>>) semaphore(%arg11 : memref<!tpu.dma_semaphore, #tpu.memory_space<semaphore_mem>>)
    %dma_start3A_14 = arith.constant 96 : i32
    %dma_start3A_15 = arith.constant 0 : i32
    %dma_start3A_16 = tpu.memref_slice %arg8[%dma_start3A_14, %dma_start3A_15] : memref<288x64xf32, #tpu.memory_space<vmem>> -> memref<96x64xf32, #tpu.memory_space<vmem>>
    %dma_start3A_17 = arith.constant 96 : i32
    %dma_start3A_18 = tpu.memref_slice %arg7[%dma_start3A_17] : memref<288xi32, #tpu.memory_space<vmem>> -> memref<96xi32, #tpu.memory_space<vmem>>
    %dma_start3A_19 = arith.constant 0 : i32
    %dma_start3A_20 = arith.constant 0 : i32
    %dma_start3A_21 = tpu.memref_slice %arg2[%dma_start3A_19, %dma_start3A_20] : memref<8192x64xf32, #tpu.memory_space<hbm>> -> memref<8192x64xf32, #tpu.memory_space<hbm>>
    tpu.enqueue_indirect_dma source(%dma_start3A_21 : memref<8192x64xf32, #tpu.memory_space<hbm>>) target(%dma_start3A_16 : memref<96x64xf32, #tpu.memory_space<vmem>>) offsets(%dma_start3A_18 : memref<96xi32, #tpu.memory_space<vmem>>) semaphore(%arg11 : memref<!tpu.dma_semaphore, #tpu.memory_space<semaphore_mem>>)
    %dma_start3A_22 = arith.constant 192 : i32
    %dma_start3A_23 = arith.constant 0 : i32
    %dma_start3A_24 = tpu.memref_slice %arg8[%dma_start3A_22, %dma_start3A_23] : memref<288x64xf32, #tpu.memory_space<vmem>> -> memref<96x64xf32, #tpu.memory_space<vmem>>
    %dma_start3A_25 = arith.constant 192 : i32
    %dma_start3A_26 = tpu.memref_slice %arg7[%dma_start3A_25] : memref<288xi32, #tpu.memory_space<vmem>> -> memref<96xi32, #tpu.memory_space<vmem>>
    %dma_start3A_27 = arith.constant 0 : i32
    %dma_start3A_28 = arith.constant 0 : i32
    %dma_start3A_29 = tpu.memref_slice %arg2[%dma_start3A_27, %dma_start3A_28] : memref<8192x64xf32, #tpu.memory_space<hbm>> -> memref<8192x64xf32, #tpu.memory_space<hbm>>
    tpu.enqueue_indirect_dma source(%dma_start3A_29 : memref<8192x64xf32, #tpu.memory_space<hbm>>) target(%dma_start3A_24 : memref<96x64xf32, #tpu.memory_space<vmem>>) offsets(%dma_start3A_26 : memref<96xi32, #tpu.memory_space<vmem>>) semaphore(%arg11 : memref<!tpu.dma_semaphore, #tpu.memory_space<semaphore_mem>>)
    %broadcast_in_dim3A = arith.constant 0.000000e+00 : f32
    %broadcast_in_dim3A_30 = vector.broadcast %broadcast_in_dim3A : f32 to vector<16xf32>
    %scan3A = arith.constant 0 : i32
    %scan3A_31 = arith.constant 0 : i32
    %scan3A_32 = arith.constant 512 : i32
    %scan3A_33 = arith.addi %scan3A_31, %scan3A_32 : i32
    %scan3A_34 = arith.constant 1 : i32
    %scan3A_35 = scf.for %scan3A_78 = %scan3A_31 to %scan3A_33 step %scan3A_34 iter_args(%scan3A_79 = %scan3A) -> (i32)  : i32 {
      %swap3A = arith.index_cast %scan3A_78 : i32 to index
      %swap3A_80 = arith.constant 0 : index
      %swap3A_81 = tpu.vector_load %arg10[%swap3A, %swap3A_80] {strides = array<i32>} : memref<512x16xf32, #tpu.memory_space<vmem>>, vector<1x16xf32>,
      %swap3A_82 = vector.shape_cast %swap3A_81 : vector<1x16xf32> to vector<16xf32>
      %swap3A_83 = vector.shape_cast %broadcast_in_dim3A_30 : vector<16xf32> to vector<1x16xf32>
      tpu.vector_store %arg10[%swap3A, %swap3A_80], %swap3A_83 {strides = array<i32>} : memref<512x16xf32, #tpu.memory_space<vmem>>, vector<1x16xf32>,
      %scan3A_84 = arith.constant 0 : i32
      scf.yield %scan3A_84 : i32
    }
    %scan3A_36 = arith.constant 512 : i32
    %iota3A = tpu.iota {dimensions = array<i32: 0>} : vector<16xi32>
    %scan3A_37 = arith.constant 0 : i32
    %scan3A_38 = arith.constant 0 : i32
    %scan3A_39 = arith.constant 18 : i32
    %scan3A_40 = arith.addi %scan3A_38, %scan3A_39 : i32
    %scan3A_41 = arith.constant 1 : i32
    %scan3A_42 = scf.for %scan3A_78 = %scan3A_38 to %scan3A_40 step %scan3A_41 iter_args(%scan3A_79 = %scan3A_37) -> (i32)  : i32 {
      %mul3A_80 = arith.constant 16 : i32
      %mul3A_81 = arith.muli %scan3A_78, %mul3A_80 : i32
      %get3A = arith.index_cast %mul3A_81 : i32 to index
      %get3A_82 = tpu.vector_load %arg7[%get3A] {strides = array<i32>} : memref<288xi32, #tpu.memory_space<vmem>>, vector<16xi32>,
      %get3A_83 = vector.shape_cast %get3A_82 : vector<16xi32> to vector<16xi32>
      %slice3A = vector.extract_strided_slice %get3A_83 {offsets = [0], sizes = [1], strides = [1]} : vector<16xi32> to vector<1xi32>
      %squeeze3A = vector.extract %slice3A[0] : i32 from vector<1xi32>
      %shift_right_logical3A = arith.constant 4 : i32
      %shift_right_logical3A_84 = arith.shrui %squeeze3A, %shift_right_logical3A : i32
      %and3A = arith.constant 15 : i32
      %and3A_85 = arith.andi %squeeze3A, %and3A : i32
      %get3A_86 = arith.index_cast %shift_right_logical3A_84 : i32 to index
      %get3A_87 = arith.constant 0 : index
      %get3A_88 = tpu.vector_load %arg10[%get3A_86, %get3A_87] {strides = array<i32>} : memref<512x16xf32, #tpu.memory_space<vmem>>, vector<1x16xf32>,
      %get3A_89 = vector.shape_cast %get3A_88 : vector<1x16xf32> to vector<16xf32>
      %eq3A = vector.broadcast %and3A_85 : i32 to vector<16xi32>
      %eq3A_90 = arith.cmpi eq, %iota3A, %eq3A : vector<16xi32>
      %add3A_91 = arith.constant 1.000000e+00 : f32
      %add3A_92 = vector.broadcast %add3A_91 : f32 to vector<16xf32>
      %add3A_93 = arith.addf %get3A_89, %add3A_92 : vector<16xf32>
      %select_n3A = arith.select %eq3A_90, %add3A_93, %get3A_89 : vector<16xi1>, vector<16xf32>
      %swap3A = arith.index_cast %shift_right_logical3A_84 : i32 to index
      %swap3A_94 = arith.constant 0 : index
      %swap3A_95 = tpu.vector_load %arg10[%swap3A, %swap3A_94] {strides = array<i32>} : memref<512x16xf32, #tpu.memory_space<vmem>>, vector<1x16xf32>,
      %swap3A_96 = vector.shape_cast %swap3A_95 : vector<1x16xf32> to vector<16xf32>
      %swap3A_97 = vector.shape_cast %select_n3A : vector<16xf32> to vector<1x16xf32>
      tpu.vector_store %arg10[%swap3A, %swap3A_94], %swap3A_97 {strides = array<i32>} : memref<512x16xf32, #tpu.memory_space<vmem>>, vector<1x16xf32>,
      %slice3A_98 = vector.extract_strided_slice %get3A_83 {offsets = [1], sizes = [1], strides = [1]} : vector<16xi32> to vector<1xi32>
      %squeeze3A_99 = vector.extract %slice3A_98[0] : i32 from vector<1xi32>
      %shift_right_logical3A_100 = arith.constant 4 : i32
      %shift_right_logical3A_101 = arith.shrui %squeeze3A_99, %shift_right_logical3A_100 : i32
      %and3A_102 = arith.constant 15 : i32
      %and3A_103 = arith.andi %squeeze3A_99, %and3A_102 : i32
      %get3A_104 = arith.index_cast %shift_right_logical3A_101 : i32 to index
      %get3A_105 = arith.constant 0 : index
      %get3A_106 = tpu.vector_load %arg10[%get3A_104, %get3A_105] {strides = array<i32>} : memref<512x16xf32, #tpu.memory_space<vmem>>, vector<1x16xf32>,
      %get3A_107 = vector.shape_cast %get3A_106 : vector<1x16xf32> to vector<16xf32>
      %eq3A_108 = vector.broadcast %and3A_103 : i32 to vector<16xi32>
      %eq3A_109 = arith.cmpi eq, %iota3A, %eq3A_108 : vector<16xi32>
      %add3A_110 = arith.constant 1.000000e+00 : f32
      %add3A_111 = vector.broadcast %add3A_110 : f32 to vector<16xf32>
      %add3A_112 = arith.addf %get3A_107, %add3A_111 : vector<16xf32>
      %select_n3A_113 = arith.select %eq3A_109, %add3A_112, %get3A_107 : vector<16xi1>, vector<16xf32>
      %swap3A_114 = arith.index_cast %shift_right_logical3A_101 : i32 to index
      %swap3A_115 = arith.constant 0 : index
      %swap3A_116 = tpu.vector_load %arg10[%swap3A_114, %swap3A_115] {strides = array<i32>} : memref<512x16xf32, #tpu.memory_space<vmem>>, vector<1x16xf32>,
      %swap3A_117 = vector.shape_cast %swap3A_116 : vector<1x16xf32> to vector<16xf32>
      %swap3A_118 = vector.shape_cast %select_n3A_113 : vector<16xf32> to vector<1x16xf32>
      tpu.vector_store %arg10[%swap3A_114, %swap3A_115], %swap3A_118 {strides = array<i32>} : memref<512x16xf32, #tpu.memory_space<vmem>>, vector<1x16xf32>,
      %slice3A_119 = vector.extract_strided_slice %get3A_83 {offsets = [2], sizes = [1], strides = [1]} : vector<16xi32> to vector<1xi32>
      %squeeze3A_120 = vector.extract %slice3A_119[0] : i32 from vector<1xi32>
      %shift_right_logical3A_121 = arith.constant 4 : i32
      %shift_right_logical3A_122 = arith.shrui %squeeze3A_120, %shift_right_logical3A_121 : i32
      %and3A_123 = arith.constant 15 : i32
      %and3A_124 = arith.andi %squeeze3A_120, %and3A_123 : i32
      %get3A_125 = arith.index_cast %shift_right_logical3A_122 : i32 to index
      %get3A_126 = arith.constant 0 : index
      %get3A_127 = tpu.vector_load %arg10[%get3A_125, %get3A_126] {strides = array<i32>} : memref<512x16xf32, #tpu.memory_space<vmem>>, vector<1x16xf32>,
      %get3A_128 = vector.shape_cast %get3A_127 : vector<1x16xf32> to vector<16xf32>
      %eq3A_129 = vector.broadcast %and3A_124 : i32 to vector<16xi32>
      %eq3A_130 = arith.cmpi eq, %iota3A, %eq3A_129 : vector<16xi32>
      %add3A_131 = arith.constant 1.000000e+00 : f32
      %add3A_132 = vector.broadcast %add3A_131 : f32 to vector<16xf32>
      %add3A_133 = arith.addf %get3A_128, %add3A_132 : vector<16xf32>
      %select_n3A_134 = arith.select %eq3A_130, %add3A_133, %get3A_128 : vector<16xi1>, vector<16xf32>
      %swap3A_135 = arith.index_cast %shift_right_logical3A_122 : i32 to index
      %swap3A_136 = arith.constant 0 : index
      %swap3A_137 = tpu.vector_load %arg10[%swap3A_135, %swap3A_136] {strides = array<i32>} : memref<512x16xf32, #tpu.memory_space<vmem>>, vector<1x16xf32>,
      %swap3A_138 = vector.shape_cast %swap3A_137 : vector<1x16xf32> to vector<16xf32>
      %swap3A_139 = vector.shape_cast %select_n3A_134 : vector<16xf32> to vector<1x16xf32>
      tpu.vector_store %arg10[%swap3A_135, %swap3A_136], %swap3A_139 {strides = array<i32>} : memref<512x16xf32, #tpu.memory_space<vmem>>, vector<1x16xf32>,
      %slice3A_140 = vector.extract_strided_slice %get3A_83 {offsets = [3], sizes = [1], strides = [1]} : vector<16xi32> to vector<1xi32>
      %squeeze3A_141 = vector.extract %slice3A_140[0] : i32 from vector<1xi32>
      %shift_right_logical3A_142 = arith.constant 4 : i32
      %shift_right_logical3A_143 = arith.shrui %squeeze3A_141, %shift_right_logical3A_142 : i32
      %and3A_144 = arith.constant 15 : i32
      %and3A_145 = arith.andi %squeeze3A_141, %and3A_144 : i32
      %get3A_146 = arith.index_cast %shift_right_logical3A_143 : i32 to index
      %get3A_147 = arith.constant 0 : index
      %get3A_148 = tpu.vector_load %arg10[%get3A_146, %get3A_147] {strides = array<i32>} : memref<512x16xf32, #tpu.memory_space<vmem>>, vector<1x16xf32>,
      %get3A_149 = vector.shape_cast %get3A_148 : vector<1x16xf32> to vector<16xf32>
      %eq3A_150 = vector.broadcast %and3A_145 : i32 to vector<16xi32>
      %eq3A_151 = arith.cmpi eq, %iota3A, %eq3A_150 : vector<16xi32>
      %add3A_152 = arith.constant 1.000000e+00 : f32
      %add3A_153 = vector.broadcast %add3A_152 : f32 to vector<16xf32>
      %add3A_154 = arith.addf %get3A_149, %add3A_153 : vector<16xf32>
      %select_n3A_155 = arith.select %eq3A_151, %add3A_154, %get3A_149 : vector<16xi1>, vector<16xf32>
      %swap3A_156 = arith.index_cast %shift_right_logical3A_143 : i32 to index
      %swap3A_157 = arith.constant 0 : index
      %swap3A_158 = tpu.vector_load %arg10[%swap3A_156, %swap3A_157] {strides = array<i32>} : memref<512x16xf32, #tpu.memory_space<vmem>>, vector<1x16xf32>,
      %swap3A_159 = vector.shape_cast %swap3A_158 : vector<1x16xf32> to vector<16xf32>
      %swap3A_160 = vector.shape_cast %select_n3A_155 : vector<16xf32> to vector<1x16xf32>
      tpu.vector_store %arg10[%swap3A_156, %swap3A_157], %swap3A_160 {strides = array<i32>} : memref<512x16xf32, #tpu.memory_space<vmem>>, vector<1x16xf32>,
      %slice3A_161 = vector.extract_strided_slice %get3A_83 {offsets = [4], sizes = [1], strides = [1]} : vector<16xi32> to vector<1xi32>
      %squeeze3A_162 = vector.extract %slice3A_161[0] : i32 from vector<1xi32>
      %shift_right_logical3A_163 = arith.constant 4 : i32
      %shift_right_logical3A_164 = arith.shrui %squeeze3A_162, %shift_right_logical3A_163 : i32
      %and3A_165 = arith.constant 15 : i32
      %and3A_166 = arith.andi %squeeze3A_162, %and3A_165 : i32
      %get3A_167 = arith.index_cast %shift_right_logical3A_164 : i32 to index
      %get3A_168 = arith.constant 0 : index
      %get3A_169 = tpu.vector_load %arg10[%get3A_167, %get3A_168] {strides = array<i32>} : memref<512x16xf32, #tpu.memory_space<vmem>>, vector<1x16xf32>,
      %get3A_170 = vector.shape_cast %get3A_169 : vector<1x16xf32> to vector<16xf32>
      %eq3A_171 = vector.broadcast %and3A_166 : i32 to vector<16xi32>
      %eq3A_172 = arith.cmpi eq, %iota3A, %eq3A_171 : vector<16xi32>
      %add3A_173 = arith.constant 1.000000e+00 : f32
      %add3A_174 = vector.broadcast %add3A_173 : f32 to vector<16xf32>
      %add3A_175 = arith.addf %get3A_170, %add3A_174 : vector<16xf32>
      %select_n3A_176 = arith.select %eq3A_172, %add3A_175, %get3A_170 : vector<16xi1>, vector<16xf32>
      %swap3A_177 = arith.index_cast %shift_right_logical3A_164 : i32 to index
      %swap3A_178 = arith.constant 0 : index
      %swap3A_179 = tpu.vector_load %arg10[%swap3A_177, %swap3A_178] {strides = array<i32>} : memref<512x16xf32, #tpu.memory_space<vmem>>, vector<1x16xf32>,
      %swap3A_180 = vector.shape_cast %swap3A_179 : vector<1x16xf32> to vector<16xf32>
      %swap3A_181 = vector.shape_cast %select_n3A_176 : vector<16xf32> to vector<1x16xf32>
      tpu.vector_store %arg10[%swap3A_177, %swap3A_178], %swap3A_181 {strides = array<i32>} : memref<512x16xf32, #tpu.memory_space<vmem>>, vector<1x16xf32>,
      %slice3A_182 = vector.extract_strided_slice %get3A_83 {offsets = [5], sizes = [1], strides = [1]} : vector<16xi32> to vector<1xi32>
      %squeeze3A_183 = vector.extract %slice3A_182[0] : i32 from vector<1xi32>
      %shift_right_logical3A_184 = arith.constant 4 : i32
      %shift_right_logical3A_185 = arith.shrui %squeeze3A_183, %shift_right_logical3A_184 : i32
      %and3A_186 = arith.constant 15 : i32
      %and3A_187 = arith.andi %squeeze3A_183, %and3A_186 : i32
      %get3A_188 = arith.index_cast %shift_right_logical3A_185 : i32 to index
      %get3A_189 = arith.constant 0 : index
      %get3A_190 = tpu.vector_load %arg10[%get3A_188, %get3A_189] {strides = array<i32>} : memref<512x16xf32, #tpu.memory_space<vmem>>, vector<1x16xf32>,
      %get3A_191 = vector.shape_cast %get3A_190 : vector<1x16xf32> to vector<16xf32>
      %eq3A_192 = vector.broadcast %and3A_187 : i32 to vector<16xi32>
      %eq3A_193 = arith.cmpi eq, %iota3A, %eq3A_192 : vector<16xi32>
      %add3A_194 = arith.constant 1.000000e+00 : f32
      %add3A_195 = vector.broadcast %add3A_194 : f32 to vector<16xf32>
      %add3A_196 = arith.addf %get3A_191, %add3A_195 : vector<16xf32>
      %select_n3A_197 = arith.select %eq3A_193, %add3A_196, %get3A_191 : vector<16xi1>, vector<16xf32>
      %swap3A_198 = arith.index_cast %shift_right_logical3A_185 : i32 to index
      %swap3A_199 = arith.constant 0 : index
      %swap3A_200 = tpu.vector_load %arg10[%swap3A_198, %swap3A_199] {strides = array<i32>} : memref<512x16xf32, #tpu.memory_space<vmem>>, vector<1x16xf32>,
      %swap3A_201 = vector.shape_cast %swap3A_200 : vector<1x16xf32> to vector<16xf32>
      %swap3A_202 = vector.shape_cast %select_n3A_197 : vector<16xf32> to vector<1x16xf32>
      tpu.vector_store %arg10[%swap3A_198, %swap3A_199], %swap3A_202 {strides = array<i32>} : memref<512x16xf32, #tpu.memory_space<vmem>>, vector<1x16xf32>,
      %slice3A_203 = vector.extract_strided_slice %get3A_83 {offsets = [6], sizes = [1], strides = [1]} : vector<16xi32> to vector<1xi32>
      %squeeze3A_204 = vector.extract %slice3A_203[0] : i32 from vector<1xi32>
      %shift_right_logical3A_205 = arith.constant 4 : i32
      %shift_right_logical3A_206 = arith.shrui %squeeze3A_204, %shift_right_logical3A_205 : i32
      %and3A_207 = arith.constant 15 : i32
      %and3A_208 = arith.andi %squeeze3A_204, %and3A_207 : i32
      %get3A_209 = arith.index_cast %shift_right_logical3A_206 : i32 to index
      %get3A_210 = arith.constant 0 : index
      %get3A_211 = tpu.vector_load %arg10[%get3A_209, %get3A_210] {strides = array<i32>} : memref<512x16xf32, #tpu.memory_space<vmem>>, vector<1x16xf32>,
      %get3A_212 = vector.shape_cast %get3A_211 : vector<1x16xf32> to vector<16xf32>
      %eq3A_213 = vector.broadcast %and3A_208 : i32 to vector<16xi32>
      %eq3A_214 = arith.cmpi eq, %iota3A, %eq3A_213 : vector<16xi32>
      %add3A_215 = arith.constant 1.000000e+00 : f32
      %add3A_216 = vector.broadcast %add3A_215 : f32 to vector<16xf32>
      %add3A_217 = arith.addf %get3A_212, %add3A_216 : vector<16xf32>
      %select_n3A_218 = arith.select %eq3A_214, %add3A_217, %get3A_212 : vector<16xi1>, vector<16xf32>
      %swap3A_219 = arith.index_cast %shift_right_logical3A_206 : i32 to index
      %swap3A_220 = arith.constant 0 : index
      %swap3A_221 = tpu.vector_load %arg10[%swap3A_219, %swap3A_220] {strides = array<i32>} : memref<512x16xf32, #tpu.memory_space<vmem>>, vector<1x16xf32>,
      %swap3A_222 = vector.shape_cast %swap3A_221 : vector<1x16xf32> to vector<16xf32>
      %swap3A_223 = vector.shape_cast %select_n3A_218 : vector<16xf32> to vector<1x16xf32>
      tpu.vector_store %arg10[%swap3A_219, %swap3A_220], %swap3A_223 {strides = array<i32>} : memref<512x16xf32, #tpu.memory_space<vmem>>, vector<1x16xf32>,
      %slice3A_224 = vector.extract_strided_slice %get3A_83 {offsets = [7], sizes = [1], strides = [1]} : vector<16xi32> to vector<1xi32>
      %squeeze3A_225 = vector.extract %slice3A_224[0] : i32 from vector<1xi32>
      %shift_right_logical3A_226 = arith.constant 4 : i32
      %shift_right_logical3A_227 = arith.shrui %squeeze3A_225, %shift_right_logical3A_226 : i32
      %and3A_228 = arith.constant 15 : i32
      %and3A_229 = arith.andi %squeeze3A_225, %and3A_228 : i32
      %get3A_230 = arith.index_cast %shift_right_logical3A_227 : i32 to index
      %get3A_231 = arith.constant 0 : index
      %get3A_232 = tpu.vector_load %arg10[%get3A_230, %get3A_231] {strides = array<i32>} : memref<512x16xf32, #tpu.memory_space<vmem>>, vector<1x16xf32>,
      %get3A_233 = vector.shape_cast %get3A_232 : vector<1x16xf32> to vector<16xf32>
      %eq3A_234 = vector.broadcast %and3A_229 : i32 to vector<16xi32>
      %eq3A_235 = arith.cmpi eq, %iota3A, %eq3A_234 : vector<16xi32>
      %add3A_236 = arith.constant 1.000000e+00 : f32
      %add3A_237 = vector.broadcast %add3A_236 : f32 to vector<16xf32>
      %add3A_238 = arith.addf %get3A_233, %add3A_237 : vector<16xf32>
      %select_n3A_239 = arith.select %eq3A_235, %add3A_238, %get3A_233 : vector<16xi1>, vector<16xf32>
      %swap3A_240 = arith.index_cast %shift_right_logical3A_227 : i32 to index
      %swap3A_241 = arith.constant 0 : index
      %swap3A_242 = tpu.vector_load %arg10[%swap3A_240, %swap3A_241] {strides = array<i32>} : memref<512x16xf32, #tpu.memory_space<vmem>>, vector<1x16xf32>,
      %swap3A_243 = vector.shape_cast %swap3A_242 : vector<1x16xf32> to vector<16xf32>
      %swap3A_244 = vector.shape_cast %select_n3A_239 : vector<16xf32> to vector<1x16xf32>
      tpu.vector_store %arg10[%swap3A_240, %swap3A_241], %swap3A_244 {strides = array<i32>} : memref<512x16xf32, #tpu.memory_space<vmem>>, vector<1x16xf32>,
      %slice3A_245 = vector.extract_strided_slice %get3A_83 {offsets = [8], sizes = [1], strides = [1]} : vector<16xi32> to vector<1xi32>
      %squeeze3A_246 = vector.extract %slice3A_245[0] : i32 from vector<1xi32>
      %shift_right_logical3A_247 = arith.constant 4 : i32
      %shift_right_logical3A_248 = arith.shrui %squeeze3A_246, %shift_right_logical3A_247 : i32
      %and3A_249 = arith.constant 15 : i32
      %and3A_250 = arith.andi %squeeze3A_246, %and3A_249 : i32
      %get3A_251 = arith.index_cast %shift_right_logical3A_248 : i32 to index
      %get3A_252 = arith.constant 0 : index
      %get3A_253 = tpu.vector_load %arg10[%get3A_251, %get3A_252] {strides = array<i32>} : memref<512x16xf32, #tpu.memory_space<vmem>>, vector<1x16xf32>,
      %get3A_254 = vector.shape_cast %get3A_253 : vector<1x16xf32> to vector<16xf32>
      %eq3A_255 = vector.broadcast %and3A_250 : i32 to vector<16xi32>
      %eq3A_256 = arith.cmpi eq, %iota3A, %eq3A_255 : vector<16xi32>
      %add3A_257 = arith.constant 1.000000e+00 : f32
      %add3A_258 = vector.broadcast %add3A_257 : f32 to vector<16xf32>
      %add3A_259 = arith.addf %get3A_254, %add3A_258 : vector<16xf32>
      %select_n3A_260 = arith.select %eq3A_256, %add3A_259, %get3A_254 : vector<16xi1>, vector<16xf32>
      %swap3A_261 = arith.index_cast %shift_right_logical3A_248 : i32 to index
      %swap3A_262 = arith.constant 0 : index
      %swap3A_263 = tpu.vector_load %arg10[%swap3A_261, %swap3A_262] {strides = array<i32>} : memref<512x16xf32, #tpu.memory_space<vmem>>, vector<1x16xf32>,
      %swap3A_264 = vector.shape_cast %swap3A_263 : vector<1x16xf32> to vector<16xf32>
      %swap3A_265 = vector.shape_cast %select_n3A_260 : vector<16xf32> to vector<1x16xf32>
      tpu.vector_store %arg10[%swap3A_261, %swap3A_262], %swap3A_265 {strides = array<i32>} : memref<512x16xf32, #tpu.memory_space<vmem>>, vector<1x16xf32>,
      %slice3A_266 = vector.extract_strided_slice %get3A_83 {offsets = [9], sizes = [1], strides = [1]} : vector<16xi32> to vector<1xi32>
      %squeeze3A_267 = vector.extract %slice3A_266[0] : i32 from vector<1xi32>
      %shift_right_logical3A_268 = arith.constant 4 : i32
      %shift_right_logical3A_269 = arith.shrui %squeeze3A_267, %shift_right_logical3A_268 : i32
      %and3A_270 = arith.constant 15 : i32
      %and3A_271 = arith.andi %squeeze3A_267, %and3A_270 : i32
      %get3A_272 = arith.index_cast %shift_right_logical3A_269 : i32 to index
      %get3A_273 = arith.constant 0 : index
      %get3A_274 = tpu.vector_load %arg10[%get3A_272, %get3A_273] {strides = array<i32>} : memref<512x16xf32, #tpu.memory_space<vmem>>, vector<1x16xf32>,
      %get3A_275 = vector.shape_cast %get3A_274 : vector<1x16xf32> to vector<16xf32>
      %eq3A_276 = vector.broadcast %and3A_271 : i32 to vector<16xi32>
      %eq3A_277 = arith.cmpi eq, %iota3A, %eq3A_276 : vector<16xi32>
      %add3A_278 = arith.constant 1.000000e+00 : f32
      %add3A_279 = vector.broadcast %add3A_278 : f32 to vector<16xf32>
      %add3A_280 = arith.addf %get3A_275, %add3A_279 : vector<16xf32>
      %select_n3A_281 = arith.select %eq3A_277, %add3A_280, %get3A_275 : vector<16xi1>, vector<16xf32>
      %swap3A_282 = arith.index_cast %shift_right_logical3A_269 : i32 to index
      %swap3A_283 = arith.constant 0 : index
      %swap3A_284 = tpu.vector_load %arg10[%swap3A_282, %swap3A_283] {strides = array<i32>} : memref<512x16xf32, #tpu.memory_space<vmem>>, vector<1x16xf32>,
      %swap3A_285 = vector.shape_cast %swap3A_284 : vector<1x16xf32> to vector<16xf32>
      %swap3A_286 = vector.shape_cast %select_n3A_281 : vector<16xf32> to vector<1x16xf32>
      tpu.vector_store %arg10[%swap3A_282, %swap3A_283], %swap3A_286 {strides = array<i32>} : memref<512x16xf32, #tpu.memory_space<vmem>>, vector<1x16xf32>,
      %slice3A_287 = vector.extract_strided_slice %get3A_83 {offsets = [10], sizes = [1], strides = [1]} : vector<16xi32> to vector<1xi32>
      %squeeze3A_288 = vector.extract %slice3A_287[0] : i32 from vector<1xi32>
      %shift_right_logical3A_289 = arith.constant 4 : i32
      %shift_right_logical3A_290 = arith.shrui %squeeze3A_288, %shift_right_logical3A_289 : i32
      %and3A_291 = arith.constant 15 : i32
      %and3A_292 = arith.andi %squeeze3A_288, %and3A_291 : i32
      %get3A_293 = arith.index_cast %shift_right_logical3A_290 : i32 to index
      %get3A_294 = arith.constant 0 : index
      %get3A_295 = tpu.vector_load %arg10[%get3A_293, %get3A_294] {strides = array<i32>} : memref<512x16xf32, #tpu.memory_space<vmem>>, vector<1x16xf32>,
      %get3A_296 = vector.shape_cast %get3A_295 : vector<1x16xf32> to vector<16xf32>
      %eq3A_297 = vector.broadcast %and3A_292 : i32 to vector<16xi32>
      %eq3A_298 = arith.cmpi eq, %iota3A, %eq3A_297 : vector<16xi32>
      %add3A_299 = arith.constant 1.000000e+00 : f32
      %add3A_300 = vector.broadcast %add3A_299 : f32 to vector<16xf32>
      %add3A_301 = arith.addf %get3A_296, %add3A_300 : vector<16xf32>
      %select_n3A_302 = arith.select %eq3A_298, %add3A_301, %get3A_296 : vector<16xi1>, vector<16xf32>
      %swap3A_303 = arith.index_cast %shift_right_logical3A_290 : i32 to index
      %swap3A_304 = arith.constant 0 : index
      %swap3A_305 = tpu.vector_load %arg10[%swap3A_303, %swap3A_304] {strides = array<i32>} : memref<512x16xf32, #tpu.memory_space<vmem>>, vector<1x16xf32>,
      %swap3A_306 = vector.shape_cast %swap3A_305 : vector<1x16xf32> to vector<16xf32>
      %swap3A_307 = vector.shape_cast %select_n3A_302 : vector<16xf32> to vector<1x16xf32>
      tpu.vector_store %arg10[%swap3A_303, %swap3A_304], %swap3A_307 {strides = array<i32>} : memref<512x16xf32, #tpu.memory_space<vmem>>, vector<1x16xf32>,
      %slice3A_308 = vector.extract_strided_slice %get3A_83 {offsets = [11], sizes = [1], strides = [1]} : vector<16xi32> to vector<1xi32>
      %squeeze3A_309 = vector.extract %slice3A_308[0] : i32 from vector<1xi32>
      %shift_right_logical3A_310 = arith.constant 4 : i32
      %shift_right_logical3A_311 = arith.shrui %squeeze3A_309, %shift_right_logical3A_310 : i32
      %and3A_312 = arith.constant 15 : i32
      %and3A_313 = arith.andi %squeeze3A_309, %and3A_312 : i32
      %get3A_314 = arith.index_cast %shift_right_logical3A_311 : i32 to index
      %get3A_315 = arith.constant 0 : index
      %get3A_316 = tpu.vector_load %arg10[%get3A_314, %get3A_315] {strides = array<i32>} : memref<512x16xf32, #tpu.memory_space<vmem>>, vector<1x16xf32>,
      %get3A_317 = vector.shape_cast %get3A_316 : vector<1x16xf32> to vector<16xf32>
      %eq3A_318 = vector.broadcast %and3A_313 : i32 to vector<16xi32>
      %eq3A_319 = arith.cmpi eq, %iota3A, %eq3A_318 : vector<16xi32>
      %add3A_320 = arith.constant 1.000000e+00 : f32
      %add3A_321 = vector.broadcast %add3A_320 : f32 to vector<16xf32>
      %add3A_322 = arith.addf %get3A_317, %add3A_321 : vector<16xf32>
      %select_n3A_323 = arith.select %eq3A_319, %add3A_322, %get3A_317 : vector<16xi1>, vector<16xf32>
      %swap3A_324 = arith.index_cast %shift_right_logical3A_311 : i32 to index
      %swap3A_325 = arith.constant 0 : index
      %swap3A_326 = tpu.vector_load %arg10[%swap3A_324, %swap3A_325] {strides = array<i32>} : memref<512x16xf32, #tpu.memory_space<vmem>>, vector<1x16xf32>,
      %swap3A_327 = vector.shape_cast %swap3A_326 : vector<1x16xf32> to vector<16xf32>
      %swap3A_328 = vector.shape_cast %select_n3A_323 : vector<16xf32> to vector<1x16xf32>
      tpu.vector_store %arg10[%swap3A_324, %swap3A_325], %swap3A_328 {strides = array<i32>} : memref<512x16xf32, #tpu.memory_space<vmem>>, vector<1x16xf32>,
      %slice3A_329 = vector.extract_strided_slice %get3A_83 {offsets = [12], sizes = [1], strides = [1]} : vector<16xi32> to vector<1xi32>
      %squeeze3A_330 = vector.extract %slice3A_329[0] : i32 from vector<1xi32>
      %shift_right_logical3A_331 = arith.constant 4 : i32
      %shift_right_logical3A_332 = arith.shrui %squeeze3A_330, %shift_right_logical3A_331 : i32
      %and3A_333 = arith.constant 15 : i32
      %and3A_334 = arith.andi %squeeze3A_330, %and3A_333 : i32
      %get3A_335 = arith.index_cast %shift_right_logical3A_332 : i32 to index
      %get3A_336 = arith.constant 0 : index
      %get3A_337 = tpu.vector_load %arg10[%get3A_335, %get3A_336] {strides = array<i32>} : memref<512x16xf32, #tpu.memory_space<vmem>>, vector<1x16xf32>,
      %get3A_338 = vector.shape_cast %get3A_337 : vector<1x16xf32> to vector<16xf32>
      %eq3A_339 = vector.broadcast %and3A_334 : i32 to vector<16xi32>
      %eq3A_340 = arith.cmpi eq, %iota3A, %eq3A_339 : vector<16xi32>
      %add3A_341 = arith.constant 1.000000e+00 : f32
      %add3A_342 = vector.broadcast %add3A_341 : f32 to vector<16xf32>
      %add3A_343 = arith.addf %get3A_338, %add3A_342 : vector<16xf32>
      %select_n3A_344 = arith.select %eq3A_340, %add3A_343, %get3A_338 : vector<16xi1>, vector<16xf32>
      %swap3A_345 = arith.index_cast %shift_right_logical3A_332 : i32 to index
      %swap3A_346 = arith.constant 0 : index
      %swap3A_347 = tpu.vector_load %arg10[%swap3A_345, %swap3A_346] {strides = array<i32>} : memref<512x16xf32, #tpu.memory_space<vmem>>, vector<1x16xf32>,
      %swap3A_348 = vector.shape_cast %swap3A_347 : vector<1x16xf32> to vector<16xf32>
      %swap3A_349 = vector.shape_cast %select_n3A_344 : vector<16xf32> to vector<1x16xf32>
      tpu.vector_store %arg10[%swap3A_345, %swap3A_346], %swap3A_349 {strides = array<i32>} : memref<512x16xf32, #tpu.memory_space<vmem>>, vector<1x16xf32>,
      %slice3A_350 = vector.extract_strided_slice %get3A_83 {offsets = [13], sizes = [1], strides = [1]} : vector<16xi32> to vector<1xi32>
      %squeeze3A_351 = vector.extract %slice3A_350[0] : i32 from vector<1xi32>
      %shift_right_logical3A_352 = arith.constant 4 : i32
      %shift_right_logical3A_353 = arith.shrui %squeeze3A_351, %shift_right_logical3A_352 : i32
      %and3A_354 = arith.constant 15 : i32
      %and3A_355 = arith.andi %squeeze3A_351, %and3A_354 : i32
      %get3A_356 = arith.index_cast %shift_right_logical3A_353 : i32 to index
      %get3A_357 = arith.constant 0 : index
      %get3A_358 = tpu.vector_load %arg10[%get3A_356, %get3A_357] {strides = array<i32>} : memref<512x16xf32, #tpu.memory_space<vmem>>, vector<1x16xf32>,
      %get3A_359 = vector.shape_cast %get3A_358 : vector<1x16xf32> to vector<16xf32>
      %eq3A_360 = vector.broadcast %and3A_355 : i32 to vector<16xi32>
      %eq3A_361 = arith.cmpi eq, %iota3A, %eq3A_360 : vector<16xi32>
      %add3A_362 = arith.constant 1.000000e+00 : f32
      %add3A_363 = vector.broadcast %add3A_362 : f32 to vector<16xf32>
      %add3A_364 = arith.addf %get3A_359, %add3A_363 : vector<16xf32>
      %select_n3A_365 = arith.select %eq3A_361, %add3A_364, %get3A_359 : vector<16xi1>, vector<16xf32>
      %swap3A_366 = arith.index_cast %shift_right_logical3A_353 : i32 to index
      %swap3A_367 = arith.constant 0 : index
      %swap3A_368 = tpu.vector_load %arg10[%swap3A_366, %swap3A_367] {strides = array<i32>} : memref<512x16xf32, #tpu.memory_space<vmem>>, vector<1x16xf32>,
      %swap3A_369 = vector.shape_cast %swap3A_368 : vector<1x16xf32> to vector<16xf32>
      %swap3A_370 = vector.shape_cast %select_n3A_365 : vector<16xf32> to vector<1x16xf32>
      tpu.vector_store %arg10[%swap3A_366, %swap3A_367], %swap3A_370 {strides = array<i32>} : memref<512x16xf32, #tpu.memory_space<vmem>>, vector<1x16xf32>,
      %slice3A_371 = vector.extract_strided_slice %get3A_83 {offsets = [14], sizes = [1], strides = [1]} : vector<16xi32> to vector<1xi32>
      %squeeze3A_372 = vector.extract %slice3A_371[0] : i32 from vector<1xi32>
      %shift_right_logical3A_373 = arith.constant 4 : i32
      %shift_right_logical3A_374 = arith.shrui %squeeze3A_372, %shift_right_logical3A_373 : i32
      %and3A_375 = arith.constant 15 : i32
      %and3A_376 = arith.andi %squeeze3A_372, %and3A_375 : i32
      %get3A_377 = arith.index_cast %shift_right_logical3A_374 : i32 to index
      %get3A_378 = arith.constant 0 : index
      %get3A_379 = tpu.vector_load %arg10[%get3A_377, %get3A_378] {strides = array<i32>} : memref<512x16xf32, #tpu.memory_space<vmem>>, vector<1x16xf32>,
      %get3A_380 = vector.shape_cast %get3A_379 : vector<1x16xf32> to vector<16xf32>
      %eq3A_381 = vector.broadcast %and3A_376 : i32 to vector<16xi32>
      %eq3A_382 = arith.cmpi eq, %iota3A, %eq3A_381 : vector<16xi32>
      %add3A_383 = arith.constant 1.000000e+00 : f32
      %add3A_384 = vector.broadcast %add3A_383 : f32 to vector<16xf32>
      %add3A_385 = arith.addf %get3A_380, %add3A_384 : vector<16xf32>
      %select_n3A_386 = arith.select %eq3A_382, %add3A_385, %get3A_380 : vector<16xi1>, vector<16xf32>
      %swap3A_387 = arith.index_cast %shift_right_logical3A_374 : i32 to index
      %swap3A_388 = arith.constant 0 : index
      %swap3A_389 = tpu.vector_load %arg10[%swap3A_387, %swap3A_388] {strides = array<i32>} : memref<512x16xf32, #tpu.memory_space<vmem>>, vector<1x16xf32>,
      %swap3A_390 = vector.shape_cast %swap3A_389 : vector<1x16xf32> to vector<16xf32>
      %swap3A_391 = vector.shape_cast %select_n3A_386 : vector<16xf32> to vector<1x16xf32>
      tpu.vector_store %arg10[%swap3A_387, %swap3A_388], %swap3A_391 {strides = array<i32>} : memref<512x16xf32, #tpu.memory_space<vmem>>, vector<1x16xf32>,
      %slice3A_392 = vector.extract_strided_slice %get3A_83 {offsets = [15], sizes = [1], strides = [1]} : vector<16xi32> to vector<1xi32>
      %squeeze3A_393 = vector.extract %slice3A_392[0] : i32 from vector<1xi32>
      %shift_right_logical3A_394 = arith.constant 4 : i32
      %shift_right_logical3A_395 = arith.shrui %squeeze3A_393, %shift_right_logical3A_394 : i32
      %and3A_396 = arith.constant 15 : i32
      %and3A_397 = arith.andi %squeeze3A_393, %and3A_396 : i32
      %get3A_398 = arith.index_cast %shift_right_logical3A_395 : i32 to index
      %get3A_399 = arith.constant 0 : index
      %get3A_400 = tpu.vector_load %arg10[%get3A_398, %get3A_399] {strides = array<i32>} : memref<512x16xf32, #tpu.memory_space<vmem>>, vector<1x16xf32>,
      %get3A_401 = vector.shape_cast %get3A_400 : vector<1x16xf32> to vector<16xf32>
      %eq3A_402 = vector.broadcast %and3A_397 : i32 to vector<16xi32>
      %eq3A_403 = arith.cmpi eq, %iota3A, %eq3A_402 : vector<16xi32>
      %add3A_404 = arith.constant 1.000000e+00 : f32
      %add3A_405 = vector.broadcast %add3A_404 : f32 to vector<16xf32>
      %add3A_406 = arith.addf %get3A_401, %add3A_405 : vector<16xf32>
      %select_n3A_407 = arith.select %eq3A_403, %add3A_406, %get3A_401 : vector<16xi1>, vector<16xf32>
      %swap3A_408 = arith.index_cast %shift_right_logical3A_395 : i32 to index
      %swap3A_409 = arith.constant 0 : index
      %swap3A_410 = tpu.vector_load %arg10[%swap3A_408, %swap3A_409] {strides = array<i32>} : memref<512x16xf32, #tpu.memory_space<vmem>>, vector<1x16xf32>,
      %swap3A_411 = vector.shape_cast %swap3A_410 : vector<1x16xf32> to vector<16xf32>
      %swap3A_412 = vector.shape_cast %select_n3A_407 : vector<16xf32> to vector<1x16xf32>
      tpu.vector_store %arg10[%swap3A_408, %swap3A_409], %swap3A_412 {strides = array<i32>} : memref<512x16xf32, #tpu.memory_space<vmem>>, vector<1x16xf32>,
      %scan3A_413 = arith.constant 0 : i32
      scf.yield %scan3A_413 : i32
    }
    %scan3A_43 = arith.constant 18 : i32
    %dma_wait3A = arith.constant 0 : i32
    %dma_wait3A_44 = tpu.memref_slice %arg4[%mul3A_2, %dma_wait3A] : memref<9216x64xf32, #tpu.memory_space<hbm>> -> memref<288x64xf32, #tpu.memory_space<hbm>>
    %dma_wait3A_45 = arith.constant 0 : i32
    %dma_wait3A_46 = tpu.memref_slice %arg4[%mul3A_2, %dma_wait3A_45] : memref<9216x64xf32, #tpu.memory_space<hbm>> -> memref<288x64xf32, #tpu.memory_space<hbm>>
    tpu.wait_dma2 semaphore(%arg11 : memref<!tpu.dma_semaphore, #tpu.memory_space<semaphore_mem>>) src(%dma_wait3A_46 : memref<288x64xf32, #tpu.memory_space<hbm>>) dst(%arg9 : memref<288x64xf32, #tpu.memory_space<vmem>>)
    %dma_wait3A_47 = arith.constant 0 : i32
    %dma_wait3A_48 = arith.constant 0 : i32
    %dma_wait3A_49 = tpu.memref_slice %arg8[%dma_wait3A_47, %dma_wait3A_48] : memref<288x64xf32, #tpu.memory_space<vmem>> -> memref<96x64xf32, #tpu.memory_space<vmem>>
    %dma_wait3A_50 = arith.constant 0 : i32
    %dma_wait3A_51 = tpu.memref_slice %arg7[%dma_wait3A_50] : memref<288xi32, #tpu.memory_space<vmem>> -> memref<96xi32, #tpu.memory_space<vmem>>
    %dma_wait3A_52 = arith.constant 0 : i32
    %dma_wait3A_53 = arith.constant 0 : i32
    %dma_wait3A_54 = tpu.memref_slice %arg2[%dma_wait3A_52, %dma_wait3A_53] : memref<8192x64xf32, #tpu.memory_space<hbm>> -> memref<8192x64xf32, #tpu.memory_space<hbm>>
    tpu.wait_indirect_dma semaphore(%arg11 : memref<!tpu.dma_semaphore, #tpu.memory_space<semaphore_mem>>) src(%dma_wait3A_54 : memref<8192x64xf32, #tpu.memory_space<hbm>>) dst(%dma_wait3A_49 : memref<96x64xf32, #tpu.memory_space<vmem>>)
    %dma_wait3A_55 = arith.constant 96 : i32
    %dma_wait3A_56 = arith.constant 0 : i32
    %dma_wait3A_57 = tpu.memref_slice %arg8[%dma_wait3A_55, %dma_wait3A_56] : memref<288x64xf32, #tpu.memory_space<vmem>> -> memref<96x64xf32, #tpu.memory_space<vmem>>
    %dma_wait3A_58 = arith.constant 96 : i32
    %dma_wait3A_59 = tpu.memref_slice %arg7[%dma_wait3A_58] : memref<288xi32, #tpu.memory_space<vmem>> -> memref<96xi32, #tpu.memory_space<vmem>>
    %dma_wait3A_60 = arith.constant 0 : i32
    %dma_wait3A_61 = arith.constant 0 : i32
    %dma_wait3A_62 = tpu.memref_slice %arg2[%dma_wait3A_60, %dma_wait3A_61] : memref<8192x64xf32, #tpu.memory_space<hbm>> -> memref<8192x64xf32, #tpu.memory_space<hbm>>
    tpu.wait_indirect_dma semaphore(%arg11 : memref<!tpu.dma_semaphore, #tpu.memory_space<semaphore_mem>>) src(%dma_wait3A_62 : memref<8192x64xf32, #tpu.memory_space<hbm>>) dst(%dma_wait3A_57 : memref<96x64xf32, #tpu.memory_space<vmem>>)
    %dma_wait3A_63 = arith.constant 192 : i32
    %dma_wait3A_64 = arith.constant 0 : i32
    %dma_wait3A_65 = tpu.memref_slice %arg8[%dma_wait3A_63, %dma_wait3A_64] : memref<288x64xf32, #tpu.memory_space<vmem>> -> memref<96x64xf32, #tpu.memory_space<vmem>>
    %dma_wait3A_66 = arith.constant 192 : i32
    %dma_wait3A_67 = tpu.memref_slice %arg7[%dma_wait3A_66] : memref<288xi32, #tpu.memory_space<vmem>> -> memref<96xi32, #tpu.memory_space<vmem>>
    %dma_wait3A_68 = arith.constant 0 : i32
    %dma_wait3A_69 = arith.constant 0 : i32
    %dma_wait3A_70 = tpu.memref_slice %arg2[%dma_wait3A_68, %dma_wait3A_69] : memref<8192x64xf32, #tpu.memory_space<hbm>> -> memref<8192x64xf32, #tpu.memory_space<hbm>>
    tpu.wait_indirect_dma semaphore(%arg11 : memref<!tpu.dma_semaphore, #tpu.memory_space<semaphore_mem>>) src(%dma_wait3A_70 : memref<8192x64xf32, #tpu.memory_space<hbm>>) dst(%dma_wait3A_65 : memref<96x64xf32, #tpu.memory_space<vmem>>)
    %scan3A_71 = arith.constant 0 : i32
    %scan3A_72 = arith.constant 0 : i32
    %scan3A_73 = arith.constant 288 : i32
    %scan3A_74 = arith.addi %scan3A_72, %scan3A_73 : i32
    %scan3A_75 = arith.constant 1 : i32
    %scan3A_76 = scf.for %scan3A_78 = %scan3A_72 to %scan3A_74 step %scan3A_75 iter_args(%scan3A_79 = %scan3A_71) -> (i32)  : i32 {
      %get3A = arith.index_cast %scan3A_78 : i32 to index
      %get3A_80 = arith.constant 0 : index
      %get3A_81 = tpu.vector_load %arg8[%get3A, %get3A_80] {strides = array<i32>} : memref<288x64xf32, #tpu.memory_space<vmem>>, vector<1x16xf32>,
      %get3A_82 = vector.shape_cast %get3A_81 : vector<1x16xf32> to vector<16xf32>
      %get3A_83 = arith.index_cast %scan3A_78 : i32 to index
      %get3A_84 = arith.constant 0 : index
      %get3A_85 = tpu.vector_load %arg9[%get3A_83, %get3A_84] {strides = array<i32>} : memref<288x64xf32, #tpu.memory_space<vmem>>, vector<1x16xf32>,
      %get3A_86 = vector.shape_cast %get3A_85 : vector<1x16xf32> to vector<16xf32>
      %sub3A = arith.subf %get3A_82, %get3A_86 : vector<16xf32>
      %add3A_87 = arith.addf %get3A_86, %sub3A : vector<16xf32>
      %swap3A = arith.index_cast %scan3A_78 : i32 to index
      %swap3A_88 = arith.constant 0 : index
      %swap3A_89 = tpu.vector_load %arg8[%swap3A, %swap3A_88] {strides = array<i32>} : memref<288x64xf32, #tpu.memory_space<vmem>>, vector<1x16xf32>,
      %swap3A_90 = vector.shape_cast %swap3A_89 : vector<1x16xf32> to vector<16xf32>
      %swap3A_91 = vector.shape_cast %add3A_87 : vector<16xf32> to vector<1x16xf32>
      tpu.vector_store %arg8[%swap3A, %swap3A_88], %swap3A_91 {strides = array<i32>} : memref<288x64xf32, #tpu.memory_space<vmem>>, vector<1x16xf32>,
      %get3A_92 = arith.index_cast %scan3A_78 : i32 to index
      %get3A_93 = arith.constant 16 : index
      %get3A_94 = tpu.vector_load %arg8[%get3A_92, %get3A_93] {strides = array<i32>} : memref<288x64xf32, #tpu.memory_space<vmem>>, vector<1x16xf32>,
      %get3A_95 = vector.shape_cast %get3A_94 : vector<1x16xf32> to vector<16xf32>
      %get3A_96 = arith.index_cast %scan3A_78 : i32 to index
      %get3A_97 = arith.constant 16 : index
      %get3A_98 = tpu.vector_load %arg9[%get3A_96, %get3A_97] {strides = array<i32>} : memref<288x64xf32, #tpu.memory_space<vmem>>, vector<1x16xf32>,
      %get3A_99 = vector.shape_cast %get3A_98 : vector<1x16xf32> to vector<16xf32>
      %sub3A_100 = arith.subf %get3A_95, %get3A_99 : vector<16xf32>
      %add3A_101 = arith.addf %get3A_99, %sub3A_100 : vector<16xf32>
      %swap3A_102 = arith.index_cast %scan3A_78 : i32 to index
      %swap3A_103 = arith.constant 16 : index
      %swap3A_104 = tpu.vector_load %arg8[%swap3A_102, %swap3A_103] {strides = array<i32>} : memref<288x64xf32, #tpu.memory_space<vmem>>, vector<1x16xf32>,
      %swap3A_105 = vector.shape_cast %swap3A_104 : vector<1x16xf32> to vector<16xf32>
      %swap3A_106 = vector.shape_cast %add3A_101 : vector<16xf32> to vector<1x16xf32>
      tpu.vector_store %arg8[%swap3A_102, %swap3A_103], %swap3A_106 {strides = array<i32>} : memref<288x64xf32, #tpu.memory_space<vmem>>, vector<1x16xf32>,
      %get3A_107 = arith.index_cast %scan3A_78 : i32 to index
      %get3A_108 = arith.constant 32 : index
      %get3A_109 = tpu.vector_load %arg8[%get3A_107, %get3A_108] {strides = array<i32>} : memref<288x64xf32, #tpu.memory_space<vmem>>, vector<1x16xf32>,
      %get3A_110 = vector.shape_cast %get3A_109 : vector<1x16xf32> to vector<16xf32>
      %get3A_111 = arith.index_cast %scan3A_78 : i32 to index
      %get3A_112 = arith.constant 32 : index
      %get3A_113 = tpu.vector_load %arg9[%get3A_111, %get3A_112] {strides = array<i32>} : memref<288x64xf32, #tpu.memory_space<vmem>>, vector<1x16xf32>,
      %get3A_114 = vector.shape_cast %get3A_113 : vector<1x16xf32> to vector<16xf32>
      %sub3A_115 = arith.subf %get3A_110, %get3A_114 : vector<16xf32>
      %add3A_116 = arith.addf %get3A_114, %sub3A_115 : vector<16xf32>
      %swap3A_117 = arith.index_cast %scan3A_78 : i32 to index
      %swap3A_118 = arith.constant 32 : index
      %swap3A_119 = tpu.vector_load %arg8[%swap3A_117, %swap3A_118] {strides = array<i32>} : memref<288x64xf32, #tpu.memory_space<vmem>>, vector<1x16xf32>,
      %swap3A_120 = vector.shape_cast %swap3A_119 : vector<1x16xf32> to vector<16xf32>
      %swap3A_121 = vector.shape_cast %add3A_116 : vector<16xf32> to vector<1x16xf32>
      tpu.vector_store %arg8[%swap3A_117, %swap3A_118], %swap3A_121 {strides = array<i32>} : memref<288x64xf32, #tpu.memory_space<vmem>>, vector<1x16xf32>,
      %get3A_122 = arith.index_cast %scan3A_78 : i32 to index
      %get3A_123 = arith.constant 48 : index
      %get3A_124 = tpu.vector_load %arg8[%get3A_122, %get3A_123] {strides = array<i32>} : memref<288x64xf32, #tpu.memory_space<vmem>>, vector<1x16xf32>,
      %get3A_125 = vector.shape_cast %get3A_124 : vector<1x16xf32> to vector<16xf32>
      %get3A_126 = arith.index_cast %scan3A_78 : i32 to index
      %get3A_127 = arith.constant 48 : index
      %get3A_128 = tpu.vector_load %arg9[%get3A_126, %get3A_127] {strides = array<i32>} : memref<288x64xf32, #tpu.memory_space<vmem>>, vector<1x16xf32>,
      %get3A_129 = vector.shape_cast %get3A_128 : vector<1x16xf32> to vector<16xf32>
      %sub3A_130 = arith.subf %get3A_125, %get3A_129 : vector<16xf32>
      %add3A_131 = arith.addf %get3A_129, %sub3A_130 : vector<16xf32>
      %swap3A_132 = arith.index_cast %scan3A_78 : i32 to index
      %swap3A_133 = arith.constant 48 : index
      %swap3A_134 = tpu.vector_load %arg8[%swap3A_132, %swap3A_133] {strides = array<i32>} : memref<288x64xf32, #tpu.memory_space<vmem>>, vector<1x16xf32>,
      %swap3A_135 = vector.shape_cast %swap3A_134 : vector<1x16xf32> to vector<16xf32>
      %swap3A_136 = vector.shape_cast %add3A_131 : vector<16xf32> to vector<1x16xf32>
      tpu.vector_store %arg8[%swap3A_132, %swap3A_133], %swap3A_136 {strides = array<i32>} : memref<288x64xf32, #tpu.memory_space<vmem>>, vector<1x16xf32>,
      %scan3A_137 = arith.constant 0 : i32
      scf.yield %scan3A_137 : i32
    }
    %scan3A_77 = arith.constant 288 : i32
    "tpu.region"() ({
      %run_scoped3A = tpu.sem_alloc : memref<!tpu.dma_semaphore, #tpu.memory_space<semaphore_mem>>
      %dma_start3A_78 = arith.constant 0 : i32
      %dma_start3A_79 = tpu.memref_slice %arg5[%mul3A_2, %dma_start3A_78] : memref<9216x64xf32, #tpu.memory_space<hbm>> -> memref<288x64xf32, #tpu.memory_space<hbm>>
      %dma_start3A_80 = arith.constant 0 : i32
      %dma_start3A_81 = tpu.memref_slice %arg5[%mul3A_2, %dma_start3A_80] : memref<9216x64xf32, #tpu.memory_space<hbm>> -> memref<288x64xf32, #tpu.memory_space<hbm>>
      tpu.enqueue_dma source(%arg8 : memref<288x64xf32, #tpu.memory_space<vmem>>) target(%dma_start3A_81 : memref<288x64xf32, #tpu.memory_space<hbm>>) target_semaphore(%run_scoped3A : memref<!tpu.dma_semaphore, #tpu.memory_space<semaphore_mem>>)
      %dma_wait3A_82 = arith.constant 0 : i32
      %dma_wait3A_83 = tpu.memref_slice %arg5[%mul3A_2, %dma_wait3A_82] : memref<9216x64xf32, #tpu.memory_space<hbm>> -> memref<288x64xf32, #tpu.memory_space<hbm>>
      %dma_wait3A_84 = arith.constant 0 : i32
      %dma_wait3A_85 = tpu.memref_slice %arg5[%mul3A_2, %dma_wait3A_84] : memref<9216x64xf32, #tpu.memory_space<hbm>> -> memref<288x64xf32, #tpu.memory_space<hbm>>
      tpu.wait_dma2 semaphore(%run_scoped3A : memref<!tpu.dma_semaphore, #tpu.memory_space<semaphore_mem>>) src(%arg8 : memref<288x64xf32, #tpu.memory_space<vmem>>) dst(%dma_wait3A_85 : memref<288x64xf32, #tpu.memory_space<hbm>>)
      tpu.yield
    }) : () -> ()
    "tpu.region"() ({
      %run_scoped3A = tpu.sem_alloc : memref<!tpu.dma_semaphore, #tpu.memory_space<semaphore_mem>>
      %dma_start3A_78 = arith.constant 0 : i32
      %dma_start3A_79 = arith.constant 0 : i32
      %dma_start3A_80 = tpu.memref_slice %arg6[%add3A, %dma_start3A_78, %dma_start3A_79] : memref<32x512x16xf32, #tpu.memory_space<hbm>> -> memref<1x512x16xf32, #tpu.memory_space<hbm>>
      %dma_start3A_81 = tpu.memref_squeeze %dma_start3A_80 : memref<1x512x16xf32, #tpu.memory_space<hbm>> -> memref<512x16xf32, #tpu.memory_space<hbm>>
      %dma_start3A_82 = arith.constant 0 : i32
      %dma_start3A_83 = arith.constant 0 : i32
      %dma_start3A_84 = tpu.memref_slice %arg6[%add3A, %dma_start3A_82, %dma_start3A_83] : memref<32x512x16xf32, #tpu.memory_space<hbm>> -> memref<1x512x16xf32, #tpu.memory_space<hbm>>
      %dma_start3A_85 = tpu.memref_squeeze %dma_start3A_84 : memref<1x512x16xf32, #tpu.memory_space<hbm>> -> memref<512x16xf32, #tpu.memory_space<hbm>>
      tpu.enqueue_dma source(%arg10 : memref<512x16xf32, #tpu.memory_space<vmem>>) target(%dma_start3A_85 : memref<512x16xf32, #tpu.memory_space<hbm>>) target_semaphore(%run_scoped3A : memref<!tpu.dma_semaphore, #tpu.memory_space<semaphore_mem>>)
      %dma_wait3A_86 = arith.constant 0 : i32
      %dma_wait3A_87 = arith.constant 0 : i32
      %dma_wait3A_88 = tpu.memref_slice %arg6[%add3A, %dma_wait3A_86, %dma_wait3A_87] : memref<32x512x16xf32, #tpu.memory_space<hbm>> -> memref<1x512x16xf32, #tpu.memory_space<hbm>>
      %dma_wait3A_89 = tpu.memref_squeeze %dma_wait3A_88 : memref<1x512x16xf32, #tpu.memory_space<hbm>> -> memref<512x16xf32, #tpu.memory_space<hbm>>
      %dma_wait3A_90 = arith.constant 0 : i32
      %dma_wait3A_91 = arith.constant 0 : i32
      %dma_wait3A_92 = tpu.memref_slice %arg6[%add3A, %dma_wait3A_90, %dma_wait3A_91] : memref<32x512x16xf32, #tpu.memory_space<hbm>> -> memref<1x512x16xf32, #tpu.memory_space<hbm>>
      %dma_wait3A_93 = tpu.memref_squeeze %dma_wait3A_92 : memref<1x512x16xf32, #tpu.memory_space<hbm>> -> memref<512x16xf32, #tpu.memory_space<hbm>>
      tpu.wait_dma2 semaphore(%run_scoped3A : memref<!tpu.dma_semaphore, #tpu.memory_space<semaphore_mem>>) src(%arg10 : memref<512x16xf32, #tpu.memory_space<vmem>>) dst(%dma_wait3A_93 : memref<512x16xf32, #tpu.memory_space<hbm>>)
      tpu.yield
    }) : () -> ()
    return
  }
}

module attributes {stable_mosaic.version = 14 : i64} {
  func.func @_distance_argmin_body(%arg0: i32, %arg1: memref<512x64xf32, #tpu.memory_space<vmem>>, %arg2: memref<64x8192xbf16, #tpu.memory_space<vmem>>, %arg3: memref<512x1xf32, #tpu.memory_space<vmem>>, %arg4: memref<1x8192xf32, #tpu.memory_space<vmem>>, %arg5: memref<512xi32, #tpu.memory_space<vmem>>, %arg6: memref<512xf32, #tpu.memory_space<vmem>>) attributes {dimension_semantics = [#tpu.dimension_semantics<arbitrary>], iteration_bounds = array<i64: 18>, scalar_prefetch = 0 : i64, scratch_operands = 0 : i64, tpu.core_type = #tpu.core_type<tc>, window_params = [{transform_indices = @transform_0, window_bounds = array<i64: 512, 64>}, {pipeline_mode = #tpu.pipeline_mode<synchronous>, transform_indices = @transform_1, window_bounds = array<i64: 64, 8192>}, {transform_indices = @transform_2, window_bounds = array<i64: 512, 1>}, {pipeline_mode = #tpu.pipeline_mode<synchronous>, transform_indices = @transform_3, window_bounds = array<i64: 1, 8192>}, {transform_indices = @transform_4, window_bounds = array<i64: 512>}, {transform_indices = @transform_5, window_bounds = array<i64: 512>}]} {
    %get3A = arith.constant 0 : index
    %get3A_0 = arith.constant 0 : index
    %get3A_1 = vector.load %arg1[%get3A, %get3A_0] : memref<512x64xf32, #tpu.memory_space<vmem>>, vector<512x64xf32>
    %convert_element_type3A = arith.truncf %get3A_1 : vector<512x64xf32> to vector<512x64xbf16>
    %get3A_2 = arith.constant 0 : index
    %get3A_3 = arith.constant 0 : index
    %get3A_4 = vector.load %arg2[%get3A_2, %get3A_3] : memref<64x8192xbf16, #tpu.memory_space<vmem>>, vector<64x8192xbf16>
    %dot_general3A = arith.constant dense<0.000000e+00> : vector<512x8192xf32>
    %dot_general3A_5 = tpu.matmul %convert_element_type3A, %get3A_4, %dot_general3A {dimension_numbers = #tpu.dot_dimension_numbers<[1], [0], [0], [1], [0, 0, 1, 1], [], []>, transpose_lhs_hint = false} : vector<512x64xbf16>, vector<64x8192xbf16>, vector<512x8192xf32> -> vector<512x8192xf32>
    %get3A_6 = arith.constant 0 : index
    %get3A_7 = arith.constant 0 : index
    %get3A_8 = vector.load %arg3[%get3A_6, %get3A_7] : memref<512x1xf32, #tpu.memory_space<vmem>>, vector<512x1xf32>
    %get3A_9 = arith.constant 0 : index
    %get3A_10 = arith.constant 0 : index
    %get3A_11 = vector.load %arg4[%get3A_9, %get3A_10] : memref<1x8192xf32, #tpu.memory_space<vmem>>, vector<1x8192xf32>
    %add3A = vector.broadcast %get3A_8 : vector<512x1xf32> to vector<512x8192xf32>
    %add3A_12 = vector.broadcast %get3A_11 : vector<1x8192xf32> to vector<512x8192xf32>
    %add3A_13 = arith.addf %add3A, %add3A_12 : vector<512x8192xf32>
    %mul3A = arith.constant 2.000000e+00 : f32
    %mul3A_14 = vector.broadcast %mul3A : f32 to vector<512x8192xf32>
    %mul3A_15 = arith.mulf %mul3A_14, %dot_general3A_5 : vector<512x8192xf32>
    %sub3A = arith.subf %add3A_13, %mul3A_15 : vector<512x8192xf32>
    %slice3A = vector.extract_strided_slice %sub3A {offsets = [0, 0], sizes = [512, 2048], strides = [1, 1]} : vector<512x8192xf32> to vector<512x2048xf32>
    %reduce_min3A = arith.constant dense<0x7F800000> : vector<512xf32>
    %reduce_min3A_16 = vector.multi_reduction <minimumf>, %slice3A, %reduce_min3A [1] : vector<512x2048xf32> to vector<512xf32>
    %iota3A = tpu.iota {dimensions = array<i32: 1>} : vector<512x2048xi32>
    %add3A_17 = arith.constant 0 : i32
    %add3A_18 = vector.broadcast %add3A_17 : i32 to vector<512x2048xi32>
    %add3A_19 = arith.addi %iota3A, %add3A_18 : vector<512x2048xi32>
    %broadcast_in_dim3A = vector.shape_cast %reduce_min3A_16 : vector<512xf32> to vector<512x1xf32>
    %eq3A = vector.broadcast %broadcast_in_dim3A : vector<512x1xf32> to vector<512x2048xf32>
    %eq3A_20 = arith.cmpf oeq, %slice3A, %eq3A : vector<512x2048xf32>
    %jit3A = arith.constant 8192 : i32
    %broadcast_in_dim3A_21 = vector.broadcast %jit3A : i32 to vector<512x2048xi32>
    %select_n3A = arith.select %eq3A_20, %add3A_19, %broadcast_in_dim3A_21 : vector<512x2048xi1>, vector<512x2048xi32>
    %reduce_min3A_22 = arith.constant dense<2147483647> : vector<512xi32>
    %reduce_min3A_23 = vector.multi_reduction <minsi>, %select_n3A, %reduce_min3A_22 [1] : vector<512x2048xi32> to vector<512xi32>
    %convert_element_type3A_24 = arith.truncf %reduce_min3A_16 : vector<512xf32> to vector<512xbf16>
    %convert_element_type3A_25 = arith.extf %convert_element_type3A_24 : vector<512xbf16> to vector<512xf32>
    %slice3A_26 = vector.extract_strided_slice %sub3A {offsets = [0, 2048], sizes = [512, 2048], strides = [1, 1]} : vector<512x8192xf32> to vector<512x2048xf32>
    %reduce_min3A_27 = arith.constant dense<0x7F800000> : vector<512xf32>
    %reduce_min3A_28 = vector.multi_reduction <minimumf>, %slice3A_26, %reduce_min3A_27 [1] : vector<512x2048xf32> to vector<512xf32>
    %iota3A_29 = tpu.iota {dimensions = array<i32: 1>} : vector<512x2048xi32>
    %add3A_30 = arith.constant 2048 : i32
    %add3A_31 = vector.broadcast %add3A_30 : i32 to vector<512x2048xi32>
    %add3A_32 = arith.addi %iota3A_29, %add3A_31 : vector<512x2048xi32>
    %broadcast_in_dim3A_33 = vector.shape_cast %reduce_min3A_28 : vector<512xf32> to vector<512x1xf32>
    %eq3A_34 = vector.broadcast %broadcast_in_dim3A_33 : vector<512x1xf32> to vector<512x2048xf32>
    %eq3A_35 = arith.cmpf oeq, %slice3A_26, %eq3A_34 : vector<512x2048xf32>
    %jit3A_36 = arith.constant 8192 : i32
    %broadcast_in_dim3A_37 = vector.broadcast %jit3A_36 : i32 to vector<512x2048xi32>
    %select_n3A_38 = arith.select %eq3A_35, %add3A_32, %broadcast_in_dim3A_37 : vector<512x2048xi1>, vector<512x2048xi32>
    %reduce_min3A_39 = arith.constant dense<2147483647> : vector<512xi32>
    %reduce_min3A_40 = vector.multi_reduction <minsi>, %select_n3A_38, %reduce_min3A_39 [1] : vector<512x2048xi32> to vector<512xi32>
    %lt3A = arith.cmpf olt, %reduce_min3A_28, %convert_element_type3A_25 : vector<512xf32>
    %select_n3A_41 = arith.select %lt3A, %reduce_min3A_40, %reduce_min3A_23 : vector<512xi1>, vector<512xi32>
    %select_n3A_42 = arith.select %lt3A, %reduce_min3A_28, %reduce_min3A_16 : vector<512xi1>, vector<512xf32>
    %select_n3A_43 = arith.select %lt3A, %reduce_min3A_28, %convert_element_type3A_25 : vector<512xi1>, vector<512xf32>
    %convert_element_type3A_44 = arith.truncf %select_n3A_43 : vector<512xf32> to vector<512xbf16>
    %convert_element_type3A_45 = arith.extf %convert_element_type3A_44 : vector<512xbf16> to vector<512xf32>
    %slice3A_46 = vector.extract_strided_slice %sub3A {offsets = [0, 4096], sizes = [512, 2048], strides = [1, 1]} : vector<512x8192xf32> to vector<512x2048xf32>
    %reduce_min3A_47 = arith.constant dense<0x7F800000> : vector<512xf32>
    %reduce_min3A_48 = vector.multi_reduction <minimumf>, %slice3A_46, %reduce_min3A_47 [1] : vector<512x2048xf32> to vector<512xf32>
    %iota3A_49 = tpu.iota {dimensions = array<i32: 1>} : vector<512x2048xi32>
    %add3A_50 = arith.constant 4096 : i32
    %add3A_51 = vector.broadcast %add3A_50 : i32 to vector<512x2048xi32>
    %add3A_52 = arith.addi %iota3A_49, %add3A_51 : vector<512x2048xi32>
    %broadcast_in_dim3A_53 = vector.shape_cast %reduce_min3A_48 : vector<512xf32> to vector<512x1xf32>
    %eq3A_54 = vector.broadcast %broadcast_in_dim3A_53 : vector<512x1xf32> to vector<512x2048xf32>
    %eq3A_55 = arith.cmpf oeq, %slice3A_46, %eq3A_54 : vector<512x2048xf32>
    %jit3A_56 = arith.constant 8192 : i32
    %broadcast_in_dim3A_57 = vector.broadcast %jit3A_56 : i32 to vector<512x2048xi32>
    %select_n3A_58 = arith.select %eq3A_55, %add3A_52, %broadcast_in_dim3A_57 : vector<512x2048xi1>, vector<512x2048xi32>
    %reduce_min3A_59 = arith.constant dense<2147483647> : vector<512xi32>
    %reduce_min3A_60 = vector.multi_reduction <minsi>, %select_n3A_58, %reduce_min3A_59 [1] : vector<512x2048xi32> to vector<512xi32>
    %lt3A_61 = arith.cmpf olt, %reduce_min3A_48, %convert_element_type3A_45 : vector<512xf32>
    %select_n3A_62 = arith.select %lt3A_61, %reduce_min3A_60, %select_n3A_41 : vector<512xi1>, vector<512xi32>
    %select_n3A_63 = arith.select %lt3A_61, %reduce_min3A_48, %select_n3A_42 : vector<512xi1>, vector<512xf32>
    %select_n3A_64 = arith.select %lt3A_61, %reduce_min3A_48, %convert_element_type3A_45 : vector<512xi1>, vector<512xf32>
    %convert_element_type3A_65 = arith.truncf %select_n3A_64 : vector<512xf32> to vector<512xbf16>
    %convert_element_type3A_66 = arith.extf %convert_element_type3A_65 : vector<512xbf16> to vector<512xf32>
    %slice3A_67 = vector.extract_strided_slice %sub3A {offsets = [0, 6144], sizes = [512, 2048], strides = [1, 1]} : vector<512x8192xf32> to vector<512x2048xf32>
    %reduce_min3A_68 = arith.constant dense<0x7F800000> : vector<512xf32>
    %reduce_min3A_69 = vector.multi_reduction <minimumf>, %slice3A_67, %reduce_min3A_68 [1] : vector<512x2048xf32> to vector<512xf32>
    %iota3A_70 = tpu.iota {dimensions = array<i32: 1>} : vector<512x2048xi32>
    %add3A_71 = arith.constant 6144 : i32
    %add3A_72 = vector.broadcast %add3A_71 : i32 to vector<512x2048xi32>
    %add3A_73 = arith.addi %iota3A_70, %add3A_72 : vector<512x2048xi32>
    %broadcast_in_dim3A_74 = vector.shape_cast %reduce_min3A_69 : vector<512xf32> to vector<512x1xf32>
    %eq3A_75 = vector.broadcast %broadcast_in_dim3A_74 : vector<512x1xf32> to vector<512x2048xf32>
    %eq3A_76 = arith.cmpf oeq, %slice3A_67, %eq3A_75 : vector<512x2048xf32>
    %jit3A_77 = arith.constant 8192 : i32
    %broadcast_in_dim3A_78 = vector.broadcast %jit3A_77 : i32 to vector<512x2048xi32>
    %select_n3A_79 = arith.select %eq3A_76, %add3A_73, %broadcast_in_dim3A_78 : vector<512x2048xi1>, vector<512x2048xi32>
    %reduce_min3A_80 = arith.constant dense<2147483647> : vector<512xi32>
    %reduce_min3A_81 = vector.multi_reduction <minsi>, %select_n3A_79, %reduce_min3A_80 [1] : vector<512x2048xi32> to vector<512xi32>
    %lt3A_82 = arith.cmpf olt, %reduce_min3A_69, %convert_element_type3A_66 : vector<512xf32>
    %select_n3A_83 = arith.select %lt3A_82, %reduce_min3A_81, %select_n3A_62 : vector<512xi1>, vector<512xi32>
    %select_n3A_84 = arith.select %lt3A_82, %reduce_min3A_69, %select_n3A_63 : vector<512xi1>, vector<512xf32>
    %swap3A = arith.constant 0 : index
    %swap3A_85 = vector.load %arg5[%swap3A] : memref<512xi32, #tpu.memory_space<vmem>>, vector<512xi32>
    tpu.vector_store %arg5[%swap3A], %select_n3A_83 {strides = array<i32>} : memref<512xi32, #tpu.memory_space<vmem>>, vector<512xi32>,
    %swap3A_86 = arith.constant 0 : index
    %swap3A_87 = vector.load %arg6[%swap3A_86] : memref<512xf32, #tpu.memory_space<vmem>>, vector<512xf32>
    tpu.vector_store %arg6[%swap3A_86], %select_n3A_84 {strides = array<i32>} : memref<512xf32, #tpu.memory_space<vmem>>, vector<512xf32>,
    return
  }
  func.func @transform_0(%arg0: i32) -> (i32, i32) {
    %c0_i32 = arith.constant 0 : i32
    %c0_i32_0 = arith.constant 0 : i32
    return %arg0, %c0_i32 : i32, i32
  }
  func.func @transform_1(%arg0: i32) -> (i32, i32) {
    %c0_i32 = arith.constant 0 : i32
    %c0_i32_0 = arith.constant 0 : i32
    %c0_i32_1 = arith.constant 0 : i32
    return %c0_i32, %c0_i32_0 : i32, i32
  }
  func.func @transform_2(%arg0: i32) -> (i32, i32) {
    %c0_i32 = arith.constant 0 : i32
    %c0_i32_0 = arith.constant 0 : i32
    return %arg0, %c0_i32 : i32, i32
  }
  func.func @transform_3(%arg0: i32) -> (i32, i32) {
    %c0_i32 = arith.constant 0 : i32
    %c0_i32_0 = arith.constant 0 : i32
    %c0_i32_1 = arith.constant 0 : i32
    return %c0_i32, %c0_i32_0 : i32, i32
  }
  func.func @transform_4(%arg0: i32) -> i32 {
    %c0_i32 = arith.constant 0 : i32
    return %arg0 : i32
  }
  func.func @transform_5(%arg0: i32) -> i32 {
    %c0_i32 = arith.constant 0 : i32
    return %arg0 : i32
  }
}

module attributes {stable_mosaic.version = 14 : i64} {
  func.func @_loss_body(%arg0: memref<9216xf32, #tpu.memory_space<vmem>>, %arg1: memref<1x128xf32, #tpu.memory_space<vmem>>) attributes {dimension_semantics = [], scalar_prefetch = 0 : i64, scratch_operands = 0 : i64, tpu.core_type = #tpu.core_type<tc>} {
    %get3A = arith.constant 0 : index
    %get3A_0 = vector.load %arg0[%get3A] : memref<9216xf32, #tpu.memory_space<vmem>>, vector<9216xf32>
    %reduce_sum3A = vector.shape_cast %get3A_0 : vector<9216xf32> to vector<1x9216xf32>
    %reduce_sum3A_1 = arith.constant dense<0.000000e+00> : vector<1xf32>
    %reduce_sum3A_2 = vector.multi_reduction <add>, %reduce_sum3A, %reduce_sum3A_1 [1] : vector<1x9216xf32> to vector<1xf32>
    %reduce_sum3A_3 = vector.shape_cast %reduce_sum3A_2 : vector<1xf32> to vector<1x1xf32>
    %reduce_sum3A_4 = vector.extract %reduce_sum3A_3[0, 0] : f32 from vector<1x1xf32>
    %div3A = arith.constant 5.898240e+05 : f32
    %div3A_5 = arith.divf %reduce_sum3A_4, %div3A : f32
    %broadcast_in_dim3A = vector.broadcast %div3A_5 : f32 to vector<1x128xf32>
    %swap3A = arith.constant 0 : index
    %swap3A_6 = arith.constant 0 : index
    %swap3A_7 = vector.load %arg1[%swap3A, %swap3A_6] : memref<1x128xf32, #tpu.memory_space<vmem>>, vector<1x128xf32>
    tpu.vector_store %arg1[%swap3A, %swap3A_6], %broadcast_in_dim3A {strides = array<i32>} : memref<1x128xf32, #tpu.memory_space<vmem>>, vector<1x128xf32>,
    return
  }
}

module attributes {stable_mosaic.version = 14 : i64} {
  func.func @_usage_body(%arg0: memref<32x8192xf32, #tpu.memory_space<vmem>>, %arg1: memref<8192xf32, #tpu.memory_space<vmem>>) attributes {dimension_semantics = [], scalar_prefetch = 0 : i64, scratch_operands = 0 : i64, tpu.core_type = #tpu.core_type<tc>} {
    %get3A = arith.constant 0 : index
    %get3A_0 = arith.constant 0 : index
    %get3A_1 = vector.load %arg0[%get3A, %get3A_0] : memref<32x8192xf32, #tpu.memory_space<vmem>>, vector<32x8192xf32>
    %reduce_sum3A = arith.constant dense<0.000000e+00> : vector<8192xf32>
    %reduce_sum3A_2 = vector.multi_reduction <add>, %get3A_1, %reduce_sum3A [0] : vector<32x8192xf32> to vector<8192xf32>
    %swap3A = arith.constant 0 : index
    %swap3A_3 = vector.load %arg1[%swap3A] : memref<8192xf32, #tpu.memory_space<vmem>>, vector<8192xf32>
    tpu.vector_store %arg1[%swap3A], %reduce_sum3A_2 {strides = array<i32>} : memref<8192xf32, #tpu.memory_space<vmem>>, vector<8192xf32>,
    return
  }
}

</mosaic_0001>

<sc_bundles>
// kernel: kernel.6.cloned.1.call-start
scs
__scs_entry_jumppad:
0x0: {  	(pc) =	sbr.rel $0x88, $3  }
0x1: {  	(tag) =	ssettag $0x0;
	lr =	simm.s32 $0x1  }
0x2: {  	[smem:$0x3F9F] =	sst lr;
	_ =	strace $0xD0000000  }
0x3: {  	_ = 	snop  }
0x4: {  	_ = 	snop  }
0x5: {  	_ = 	snop  }
0x6: {  	_ = 	snop  }
0x7: {  	_ = 	snop  }
__scs_overlays_trampoline_lowered:
0x8: {  	[smem:$0x3FAE] =	sst s0  }
0x9: {  	[smem:$0x3FAF] =	sst s1  }
0xa: {  	[smem:$0x3FB0] =	sst s2  }
0xb: {  	[smem:$0x3FB1] =	sst s3  }
0xc: {  	[smem:$0x3FB2] =	sst s4  }
0xd: {  	[smem:$0x3FB3] =	sst s5  }
0xe: {  	[smem:$0x3FB4] =	sst s6  }
0xf: {  	[smem:$0x3FB5] =	sst s7  }
0x10: {  	[smem:$0x3FB6] =	sst s8  }
0x11: {  	[smem:$0x3FB7] =	sst s9;
	s0 =	simm.s32 @!p0 $0x0  }
0x12: {  	s1 =	sld [smem:$0x3F9D];
	s0 =	simm.s32 @p0 $0x1  }
0x13: {  	[smem:$0x3FB8] =	sst s0;
	s0 =	simm.s32 @!p1 $0x0  }
0x14: {  	s2 =	sld [smem:$0x3F9C];
	s0 =	simm.s32 @p1 $0x1  }
0x15: {  	[smem:$0x3FB9] =	sst s0;
	s0 =	simm.s32 @!p2 $0x0  }
0x16: {  	s3 =	sld [smem:$0x3FDB];
	s0 =	simm.s32 @p2 $0x1  }
0x17: {  	s4 =	simm.s32 $0x1BF5;
	[smem:$0x3FBB] =	sst s0  }
0x18: {  	s0 =	sld [smem:$0x3F9E];
	_ =	swait.ge [sflag:s4], $0x0  }
0x19: {  	s7 =	sld [smem:$0x3F9F]  }
0x1a: {  	s8 =	sadd.s32 $0xFFFFE003, lr  }
0x1b: {  	s9 =	sadd.s32 $0xFFFFFEF7, lr;
	s5 =	simm.s32 $0xFFFFFFFF;
	p2 =	slt.u32 s8, $0xFFFFF086  }
0x1c: {  	p1 =	slt.u32 s9, $0xF7A;
	s5 =	simm.s32 @!p2 $0x0  }
0x1d: {  	s5 =	simm.s32 @p1 $0x1;
	p0 =	seq.s32 s7, s2  }
0x1e: {  	s7 =	smul.u32 @!p0 $0xF7A, s2;
	p2 =	seq.s32 @!p0 s5, $0x0  }
0x1f: {  	s9 =	smul.u32 $0xF7A, s1;
	s8 =	simm.s32 @!p0 $0x1BF5;
	p2 =	por !p2, p0  }
0x20: {  	[sflag:s8] =	ssyncset.s32 @!p0 $0xFFFFF086;
	s6 =	sadd.s32 @!p0 s3, s7;
	s7 =	simm.s32 @!p0 $0x108  }
0x21: {  	s3 =	sadd.s32 s3, s9;
	s6 =	sadd.s32 @!p0 $0x88, s6;
	s7 =	simm.s32 @p2 $0x1082  }
0x22: {  	[simem:s7], [sflag:s8] =	dma.local @!p0 [hbm:s6], $0xF7A  }
0x23: {  	s9 =	sor.u32 $0xD0000000, s2;
	s6 =	simm.s32 $0x108;
	_ =	swait.ge @!p0 [sflag:s8], $0x0  }
0x24: {  	s3 =	sadd.s32 $0x88, s3;
	s6 =	simm.s32 @!p1 $0x1082;
	[sflag:s4] =	ssyncset.s32 $0xFFFFF086  }
0x25: {  	[simem:s6], [sflag:s4] =	dma.local [hbm:s3], $0xF7A  }
0x26: {  	[smem:$0x3F9F] =	sst s1;
	(tag) =	ssettag s2;
	_ =	strace s9  }
0x27: {  	s1 =	sld [smem:$0x3FAF]  }
0x28: {  	s2 =	sld [smem:$0x3FB0]  }
0x29: {  	s4 =	sld [smem:$0x3FB2]  }
0x2a: {  	p0 =	seq.s32 s5, $0x0;
	s5 =	sld [smem:$0x3FB3]  }
0x2b: {  	s6 =	sld [smem:$0x3FB4]  }
0x2c: {  	s7 =	sld [smem:$0x3FB5]  }
0x2d: {  	s3 =	simm.s32 $0x108;
	s8 =	sld [smem:$0x3FB6]  }
0x2e: {  	s3 =	simm.s32 @!p0 $0x1082;
	s9 =	sld [smem:$0x3FB7]  }
0x2f: {  	lr =	sadd.s32 s0, s3;
	s0 =	sld [smem:$0x3FAE]  }
0x30: {  	s3 =	sld [smem:$0x3FB1]  }
0x31: {  	[smem:$0x3FBA] =	sst s10  }
0x32: {  	s10 =	sld [smem:$0x3FB8];
	_ =	sdelay $0x3  }
0x33: {  	p0 =	seq.s32 s10, $0x1;
	s10 =	sld [smem:$0x3FBA];
	_ =	sdelay $0x3  }
0x34: {  	[smem:$0x3FBA] =	sst s10  }
0x35: {  	s10 =	sld [smem:$0x3FB9];
	_ =	sdelay $0x3  }
0x36: {  	p1 =	seq.s32 s10, $0x1;
	s10 =	sld [smem:$0x3FBA];
	_ =	sdelay $0x3  }
0x37: {  	[smem:$0x3FBA] =	sst s10  }
0x38: {  	s10 =	sld [smem:$0x3FBB]  }
0x39: {  	_ = 	snop;
	(pc) =	sbr.ind lr, $3  }
0x3a: {  	_ = 	snop  }
0x3b: {  	_ = 	snop  }
0x3c: {  	p2 =	seq.s32 s10, $0x1;
	s10 =	sld [smem:$0x3FBA]  }
0x3d: {  	_ =	shalt  }
0x3e: {  	_ =	shalt  }
0x3f: {  	_ =	shalt  }
0x40: {  	_ =	shalt  }
0x41: {  	_ =	shalt  }
0x42: {  	_ =	shalt  }
0x43: {  	_ =	shalt  }
0x44: {  	_ =	shalt  }
0x45: {  	_ =	shalt  }
0x46: {  	_ =	shalt  }
0x47: {  	_ =	shalt  }
0x48: {  	_ =	shalt  }
0x49: {  	_ =	shalt  }
0x4a: {  	_ =	shalt  }
0x4b: {  	_ =	shalt  }
0x4c: {  	_ =	shalt  }
0x4d: {  	_ =	shalt  }
0x4e: {  	_ =	shalt  }
0x4f: {  	_ =	shalt  }
0x50: {  	_ =	shalt  }
0x51: {  	_ =	shalt  }
0x52: {  	_ =	shalt  }
0x53: {  	_ =	shalt  }
0x54: {  	_ =	shalt  }
0x55: {  	_ =	shalt  }
0x56: {  	_ =	shalt  }
0x57: {  	_ =	shalt  }
0x58: {  	_ =	shalt  }
0x59: {  	_ =	shalt  }
0x5a: {  	_ =	shalt  }
0x5b: {  	_ =	shalt  }
0x5c: {  	_ =	shalt  }
0x5d: {  	_ =	shalt  }
0x5e: {  	_ =	shalt  }
0x5f: {  	_ =	shalt  }
0x60: {  	_ =	shalt  }
0x61: {  	_ =	shalt  }
0x62: {  	_ =	shalt  }
0x63: {  	_ =	shalt  }
0x64: {  	_ =	shalt  }
0x65: {  	_ =	shalt  }
0x66: {  	_ =	shalt  }
0x67: {  	_ =	shalt  }
0x68: {  	_ =	shalt  }
0x69: {  	_ =	shalt  }
0x6a: {  	_ =	shalt  }
0x6b: {  	_ =	shalt  }
0x6c: {  	_ =	shalt  }
0x6d: {  	_ =	shalt  }
0x6e: {  	_ =	shalt  }
0x6f: {  	_ =	shalt  }
0x70: {  	_ =	shalt  }
0x71: {  	_ =	shalt  }
0x72: {  	_ =	shalt  }
0x73: {  	_ =	shalt  }
0x74: {  	_ =	shalt  }
0x75: {  	_ =	shalt  }
0x76: {  	_ =	shalt  }
0x77: {  	_ =	shalt  }
0x78: {  	_ =	shalt  }
0x79: {  	_ =	shalt  }
0x7a: {  	_ =	shalt  }
0x7b: {  	_ =	shalt  }
0x7c: {  	_ =	shalt  }
0x7d: {  	_ =	shalt  }
0x7e: {  	_ =	shalt  }
0x7f: {  	_ =	shalt  }
0x80: {  	_ =	shalt  }
0x81: {  	_ =	shalt  }
0x82: {  	_ =	shalt  }
0x83: {  	_ =	shalt  }
0x84: {  	_ =	shalt  }
0x85: {  	_ =	shalt  }
0x86: {  	_ =	shalt  }
0x87: {  	_ =	shalt  }
.Lfunc_end0:
.L_simem_size_0:
called_computation_lowered:
.L_overlay_start_0:
0x88: {  	s2 =	sld [smem:$0x3FD9]  }
0x89: {  	s3 =	sld [smem:$0x3FFE];
	_ =	sdelay $0x1  }
0x8a: {  	s1 =	srdreg.scid  }
0x8b: {  	s0 =	sand.u32 $0x1, s1  }
0x8c: {  	s14 =	sshll.u32 s0, $0xA;
	s2 =	sadd.s32 s3, s2  }
0x8d: {  	s2 =	sadd.s32 s2, s14  }
0x8e: {  	[smem:$0x3FC6] =	sst s2  }
0x8f: {  	_ = 	snop  }
0x90: {  	s2 =	sld [smem:$0x3FD0];
	_ =	sdelay $0x2  }
0x91: {  	s15 =	simm.s32 $0xA;
	s4 =	simm.s32 $0x10  }
0x92: {  	[smem:s4], [sflag:s15] =	dma.local [hbm:s2], $0x1  }
0x93: {  	_ =	swait.eq [sflag:s15], $0x1  }
0x94: {  	[sflag:s15] =	ssyncset.done $0x0  }
0x95: {  	[sflag:s15] =	ssyncadd.s32 $0xFFFFFFFF  }
0x96: {  	s16 =	sld [smem:$0x10];
	(tm) =	ssettm $0x1  }
0x97: {  	s17 =	sld [smem:$0x3FFB];
	_ =	sdelay $0x3  }
0x98: {  	_ =	strace s17  }
0x99: {  	s3 =	sld [smem:$0x3FFC];
	_ =	sdelay $0x3  }
0x9a: {  	_ =	strace s3  }
0x9b: {  	s3 =	sld [smem:$0x3FFD];
	_ =	sdelay $0x3  }
0x9c: {  	_ =	strace s3  }
0x9d: {  	_ =	strace $0x8FFFFFFF  }
0x9e: {  	s18 =	sld [smem:$0x3FDB];
	_ =	sdelay $0x1  }
0x9f: {  	s19 =	simm.s32 $_scs_section_size  }
0xa0: {  	s5 =	simm.s32 $_size__tile_overlayer_lowered;
	s6 =	simm.s32 $_tile_overlayer_lowered  }
0xa1: {  	s22 =	simm.s32 $0x1BFF;
	s21 =	sshll.u32 s6, $0x1;
	s3 =	sadd.s32 s19, s18  }
0xa2: {  	s7 =	simm.s32 $0x0;
	s20 =	sshll.u32 s5, $0x1;
	s5 =	sadd.s32 s21, s3  }
0xa3: {  	[timem:s7], [sflag:s22] =	dma.local [hbm:s5], s20  }
0xa4: {  	_ =	swait.ge [sflag:s22], s20  }
0xa5: {  	s4 =	ssub.s32 $0x0, s20;
	[sflag:s22] =	ssyncset.done $0x0  }
0xa6: {  	[sflag:s22] =	ssyncadd.s32 s4;
	_ =	sdelay $0x1  }
0xa7: {  	s23 =	simm.s32 $0x1B8B  }
0xa8: {  	_ =	swait.ge [sflag:s23], $0x1  }
0xa9: {  	[sflag:s23] =	ssyncset.done $0x0  }
0xaa: {  	s25 =	simm.s32 $0x1B8E;
	s24 =	sld [smem:$0x3FFE];
	[sflag:s23] =	ssyncadd.s32 $0xFFFFFFFF  }
0xab: {  	s26 =	simm.s32 $execute0_lowered;
	[smem:$0x3FD2] =	sst s25  }
0xac: {  	s5 =	sshll.u32 s26, $0x1;
	_ =	strace $0x80000046;
	[dreg:$0x1] =	wrdreg $0xFFFFFFFF  }
0xad: {  	s28 =	simm.s32 $_size_execute0_lowered;
	s3 =	sadd.s32 s3, s5;
	[dreg:$0x0] =	wrdreg $0x0  }
0xae: {  	s5 =	sshll.u32 s28, $0x1;
	[dreg:$0x2] =	wrdreg s3  }
0xaf: {  	[dreg:$0x3] =	wrdreg s5  }
0xb0: {  	[dreg:$0x4] =	wrdreg $0xC0  }
0xb1: {  	_ =	task [dreg:s7], $0x5FFFF  }
0xb2: {  	[dreg:$0x1] =	wrdreg $0xFFFFFFFF  }
0xb3: {  	[dreg:$0x0] =	wrdreg $0x60  }
0xb4: {  	[dreg:$0x2] =	wrdreg s24  }
0xb5: {  	[dreg:$0x3] =	wrdreg s16  }
0xb6: {  	[dreg:$0x4] =	wrdreg $0x9  }
0xb7: {  	_ =	task.clear_ibuf [dreg:s7], $0x5FFFF;
	_ =	strace $0x90000046  }
0xb8: {  	s29 =	simm.s32 $0x9;
	_ =	strace $0x80000048  }
0xb9: {  	_ =	swait.ge [sflag:s29], $0x1  }
0xba: {  	[sflag:s29] =	ssyncadd.s32 $0xFFFFFFFF  }
0xbb: {  	_ =	strace $0x90000048  }
0xbc: {  	_ =	sfence  }
0xbd: {  	s30 =	sld [smem:$0x0];
	_ =	sdelay $0x2  }
0xbe: {  	s31 =	sshll.u32 s1, $0xD;
	s1 =	sshrl.u32 s1, $0x2  }
0xbf: {  	s3 =	sand.u32 $0x4000, s31;
	s1 =	sadd.s32 s1, s30  }
0xc0: {  	s0 =	sor.u32 s3, s0;
	s1 =	sshll.u32 s1, $0x11  }
0xc1: {  	s0 =	sor.u32 s1, s0  }
0xc2: {  	s0 =	sadd.s32 $0x8F2B, s0  }
0xc3: {  	[sflag:s0] =	ssyncadd.remote.s32 $0x1  }
0xc4: {  	_ =	sfence.sel $0xFFFF  }
0xc5: {  	[dreg:$0x0] =	wrdreg $0xFFFFFFFF;
	(pc) =	sbr.abs _section_cstart, $3  }
0xc6: {  	[dreg:$0x1] =	wrdreg $0xFFFFFFFF  }
0xc7: {  	_ =	task.clear_ibuf [dreg:s7], $0x2FFFF;
	_ =	strace $0x9FFFFFFF  }
0xc8: {  	(tm) =	ssettm $0x7FFFFFFF  }
0xc9: {  	_ =	shalt  }
tec
execute0_lowered:
.L_overlay_start_1:
0x0: {  	(tag) =	ssettag $0x1  }
0x1: {  	s0 =	rddreg [dreg:$0x0]  }
0x2: {  	s1 =	rddreg [dreg:$0x1]  }
0x3: {  	s3 =	srdreg.scid;
	s5 =	stileid.u32  }
0x4: {  	s2 =	simm.s32 $0x0;
	s11 =	simm.s32 $0x60;
	s12 =	simm.s32 $0x120  }
0x5: {  	s16 =	simm.s32 $0x1;
	s4 =	sand.u32 $0x1, s3;
	s31 =	sshll.u32 s5, $0x1  }
0x6: {  	s17 =	simm.s32 $0x9120;
	s18 =	simm.s32 $0x0;
	s5 =	sor.u32 s4, s31  }
0x7: {  	[smem:$0x7FF] =	sst s2;
	s4 =	ssub.s32 $0x2, s4;
	s6 =	smul.u32 $0x24, s5  }
0x8: {  	s3 =	sadd.s32 $0xC00, s0;
	s7 =	smul.u32 $0x900, s5;
	s8 =	sshrl.u32 s4, $0x1  }
0x9: {  	_ =	strace $0x80000047;
	s5 =	sshll.u32 s5, $0xA;
	s8 =	ssub.s32 s4, s8  }
0xa: {  	s6 =	sadd.s32 s6, s0;
	s9 =	sadd.s32 s7, s0;
	s0 =	sadd.s32 s5, s0  }
0xb: {  	s5 =	sadd.s32 s1, s7;
	s8 =	smax.u32 s8, $0x1;
	s4 =	sadd.s32 $0x10C00, s6  }
0xc: {  	v0 =	vimm.f32 $0.0e+00;
	v1 =	vlaneseq.u32;
	s6 =	sadd.s32 $0x19200, s9;
	s7 =	sadd.s32 $0x11200, s0;
	s9 =	simm.s32 $0x2  }
.LBB2_1:
0xd: {  	[tilespmem:s2], [sflag:$0x2] =	stream.linear.gather [hbm4b:s4+s2], $0x120, $0x38;
	[tilespmem:$0xB120] =	vst v63  }
0xe: {  	_ =	swait.ge [sflag:s9], $0x120  }
0xf: {  	[sflag:s9] =	ssyncset.done $0x0  }
0x10: {  	s0 =	simm.s32 $0x4920;
	[sflag:s9] =	ssyncadd.s32 $0xFFFFFEE0  }
0x11: {  	[tilespmem:s0], [sflag:$0x1] =	stream.linear.gather [hbm4b:s5+s2], $0x4800, $0x38;
	[tilespmem:$0xB120] =	vst v63  }
0x12: {  	_ = 	snop  }
0x13: {  	[tilespmem:s12], [sflag:$0x1] =	stream.indirect.gather [hbm4b:s3+s11], $0x40, s2, s11, $0xb8;
	[tilespmem:$0xB120] =	vst v63  }
0x14: {  	s30 =	simm.s32 $0x1920  }
0x15: {  	[tilespmem:s30], [sflag:$0x1] =	stream.indirect.gather [hbm4b:s3+s11], $0x40, s11, s11, $0xb8;
	[tilespmem:$0xB120] =	vst v63  }
0x16: {  	s31 =	simm.s32 $0xC0;
	s1 =	simm.s32 $0x3120;
	s0 =	simm.s32 $0x0  }
0x17: {  	[tilespmem:s1], [sflag:$0x1] =	stream.indirect.gather [hbm4b:s3+s11], $0x40, s31, s11, $0xb8;
	[tilespmem:$0xB120] =	vst v63  }
.LBB2_2:
0x18: {  	p0 =	sne.s32 s0, $0x7FC0  }
.Ltmp0:
0x19: {  	_ = 	snop;
	(pc) =	sbr.rel @p0 .LBB2_2-.Ltmp0, $3  }
0x1a: {  	_ =	sdelay $0x1  }
0x1b: {  	s1 =	sshra.s32 s0, $0x2  }
0x1c: {  	s0 =	sadd.s32 $0x40, s0;
	[tilespmem:s1+$0x9120] =	vst v0  }
0x1d: {  	s0 =	simm.s32 $0x0  }
0x1e: {  	v2 =	vld [tilespmem:s0+$0x0];
	_ =	sdelay $0x4  }
0x1f: {  	(v2sf) =	vpush v2, $0x0;
	_ =	sdelay $0x8  }
0x20: {  	(v2sf) =	vpush v2, $0x1;
	_ =	sdelay $0x5  }
0x21: {  	s14 =	spop (v2sf)  }
0x22: {  	s1 =	sand.u32 $0xFFFFFFF0, s14  }
0x23: {  	v3 =	vld [tilespmem:s1+$0x9120]  }
0x24: {  	(v2sf) =	vpush v2, $0x2;
	_ =	sdelay $0x2  }
0x25: {  	s0 =	sand.u32 $0xF, s14  }
0x26: {  	v4 =	vmov s0;
	v5 =	vadd.f32 $1.000000000e+00, v3  }
0x27: {  	vm0 =	veq.s32 v4, v1  }
0x28: {  	s15 =	spop (v2sf);
	v3 =	vsel vm0, v5, v3  }
0x29: {  	s19 =	sand.u32 $0xFFFFFFF0, s15;
	[tilespmem:s1+$0x9120] =	vst v3  }
0x2a: {  	v3 =	vld [tilespmem:s19+$0x9120]  }
0x2b: {  	(v2sf) =	vpush v2, $0x3;
	_ =	sdelay $0x2  }
0x2c: {  	s0 =	sand.u32 $0xF, s15  }
0x2d: {  	v37 =	vmov s0;
	v38 =	vadd.f32 $1.000000000e+00, v3  }
0x2e: {  	vm13 =	veq.s32 v37, v1  }
0x2f: {  	s20 =	spop (v2sf);
	v3 =	vsel vm13, v38, v3  }
0x30: {  	s21 =	sand.u32 $0xFFFFFFF0, s20;
	[tilespmem:s19+$0x9120] =	vst v3  }
0x31: {  	v3 =	vld [tilespmem:s21+$0x9120]  }
0x32: {  	(v2sf) =	vpush v2, $0x4;
	_ =	sdelay $0x2  }
0x33: {  	s0 =	sand.u32 $0xF, s20  }
0x34: {  	v39 =	vmov s0;
	v40 =	vadd.f32 $1.000000000e+00, v3  }
0x35: {  	vm14 =	veq.s32 v39, v1  }
0x36: {  	s22 =	spop (v2sf);
	v3 =	vsel vm14, v40, v3  }
0x37: {  	s23 =	sand.u32 $0xFFFFFFF0, s22;
	[tilespmem:s21+$0x9120] =	vst v3  }
0x38: {  	v3 =	vld [tilespmem:s23+$0x9120]  }
0x39: {  	(v2sf) =	vpush v2, $0x5;
	_ =	sdelay $0x2  }
0x3a: {  	s0 =	sand.u32 $0xF, s22  }
0x3b: {  	v41 =	vmov s0;
	v42 =	vadd.f32 $1.000000000e+00, v3  }
0x3c: {  	vm15 =	veq.s32 v41, v1  }
0x3d: {  	s24 =	spop (v2sf);
	v3 =	vsel vm15, v42, v3  }
0x3e: {  	s25 =	sand.u32 $0xFFFFFFF0, s24;
	[tilespmem:s23+$0x9120] =	vst v3  }
0x3f: {  	v3 =	vld [tilespmem:s25+$0x9120]  }
0x40: {  	(v2sf) =	vpush v2, $0x6;
	_ =	sdelay $0x2  }
0x41: {  	s0 =	sand.u32 $0xF, s24  }
0x42: {  	v43 =	vmov s0;
	v44 =	vadd.f32 $1.000000000e+00, v3  }
0x43: {  	vm4 =	veq.s32 v43, v1  }
0x44: {  	s26 =	spop (v2sf);
	v3 =	vsel vm4, v44, v3  }
0x45: {  	s28 =	sand.u32 $0xFFFFFFF0, s26;
	[tilespmem:s25+$0x9120] =	vst v3  }
0x46: {  	v3 =	vld [tilespmem:s28+$0x9120]  }
0x47: {  	(v2sf) =	vpush v2, $0x7;
	_ =	sdelay $0x2  }
0x48: {  	s0 =	sand.u32 $0xF, s26  }
0x49: {  	v45 =	vmov s0;
	v46 =	vadd.f32 $1.000000000e+00, v3  }
0x4a: {  	vm5 =	veq.s32 v45, v1  }
0x4b: {  	s29 =	spop (v2sf);
	v3 =	vsel vm5, v46, v3  }
0x4c: {  	s30 =	sand.u32 $0xFFFFFFF0, s29;
	[tilespmem:s28+$0x9120] =	vst v3  }
0x4d: {  	v3 =	vld [tilespmem:s30+$0x9120]  }
0x4e: {  	(v2sf) =	vpush v2, $0x8;
	_ =	sdelay $0x2  }
0x4f: {  	s0 =	sand.u32 $0xF, s29  }
0x50: {  	v47 =	vmov s0;
	v48 =	vadd.f32 $1.000000000e+00, v3  }
0x51: {  	vm6 =	veq.s32 v47, v1  }
0x52: {  	s31 =	spop (v2sf);
	v3 =	vsel vm6, v48, v3  }
0x53: {  	s10 =	sand.u32 $0xFFFFFFF0, s31;
	[tilespmem:s30+$0x9120] =	vst v3  }
0x54: {  	v3 =	vld [tilespmem:s10+$0x9120]  }
0x55: {  	(v2sf) =	vpush v2, $0x9;
	_ =	sdelay $0x2  }
0x56: {  	s0 =	sand.u32 $0xF, s31  }
0x57: {  	v49 =	vmov s0;
	v50 =	vadd.f32 $1.000000000e+00, v3  }
0x58: {  	vm7 =	veq.s32 v49, v1  }
0x59: {  	s13 =	spop (v2sf);
	v3 =	vsel vm7, v50, v3  }
0x5a: {  	s14 =	sand.u32 $0xFFFFFFF0, s13;
	[tilespmem:s10+$0x9120] =	vst v3  }
0x5b: {  	v3 =	vld [tilespmem:s14+$0x9120]  }
0x5c: {  	(v2sf) =	vpush v2, $0xA;
	_ =	sdelay $0x2  }
0x5d: {  	s0 =	sand.u32 $0xF, s13  }
0x5e: {  	v51 =	vmov s0;
	v52 =	vadd.f32 $1.000000000e+00, v3  }
0x5f: {  	vm8 =	veq.s32 v51, v1  }
0x60: {  	s15 =	spop (v2sf);
	v3 =	vsel vm8, v52, v3  }
0x61: {  	s19 =	sand.u32 $0xFFFFFFF0, s15;
	[tilespmem:s14+$0x9120] =	vst v3  }
0x62: {  	v3 =	vld [tilespmem:s19+$0x9120]  }
0x63: {  	(v2sf) =	vpush v2, $0xB;
	_ =	sdelay $0x2  }
0x64: {  	s0 =	sand.u32 $0xF, s15  }
0x65: {  	v53 =	vmov s0;
	v54 =	vadd.f32 $1.000000000e+00, v3  }
0x66: {  	vm9 =	veq.s32 v53, v1  }
0x67: {  	s20 =	spop (v2sf);
	v3 =	vsel vm9, v54, v3  }
0x68: {  	s21 =	sand.u32 $0xFFFFFFF0, s20;
	[tilespmem:s19+$0x9120] =	vst v3  }
0x69: {  	v3 =	vld [tilespmem:s21+$0x9120]  }
0x6a: {  	(v2sf) =	vpush v2, $0xC;
	_ =	sdelay $0x2  }
0x6b: {  	s0 =	sand.u32 $0xF, s20  }
0x6c: {  	v55 =	vmov s0;
	v56 =	vadd.f32 $1.000000000e+00, v3  }
0x6d: {  	vm10 =	veq.s32 v55, v1  }
0x6e: {  	s22 =	spop (v2sf);
	v3 =	vsel vm10, v56, v3  }
0x6f: {  	s23 =	sand.u32 $0xFFFFFFF0, s22;
	[tilespmem:s21+$0x9120] =	vst v3  }
0x70: {  	v3 =	vld [tilespmem:s23+$0x9120]  }
0x71: {  	(v2sf) =	vpush v2, $0xD;
	_ =	sdelay $0x2  }
0x72: {  	s0 =	sand.u32 $0xF, s22  }
0x73: {  	v57 =	vmov s0;
	v58 =	vadd.f32 $1.000000000e+00, v3  }
0x74: {  	vm11 =	veq.s32 v57, v1  }
0x75: {  	s24 =	spop (v2sf);
	v3 =	vsel vm11, v58, v3  }
0x76: {  	s25 =	sand.u32 $0xFFFFFFF0, s24;
	[tilespmem:s23+$0x9120] =	vst v3  }
0x77: {  	v3 =	vld [tilespmem:s25+$0x9120]  }
0x78: {  	(v2sf) =	vpush v2, $0xE;
	_ =	sdelay $0x2  }
0x79: {  	s0 =	sand.u32 $0xF, s24  }
0x7a: {  	v59 =	vmov s0;
	v60 =	vadd.f32 $1.000000000e+00, v3  }
0x7b: {  	vm12 =	veq.s32 v59, v1  }
0x7c: {  	s26 =	spop (v2sf);
	v3 =	vsel vm12, v60, v3  }
0x7d: {  	s28 =	sand.u32 $0xFFFFFFF0, s26;
	[tilespmem:s25+$0x9120] =	vst v3  }
0x7e: {  	v3 =	vld [tilespmem:s28+$0x9120]  }
0x7f: {  	(v2sf) =	vpush v2, $0xF;
	_ =	sdelay $0x2  }
0x80: {  	s0 =	sand.u32 $0xF, s26  }
0x81: {  	v2 =	vmov s0;
	v61 =	vadd.f32 $1.000000000e+00, v3  }
0x82: {  	vm13 =	veq.s32 v2, v1  }
0x83: {  	s29 =	spop (v2sf);
	v2 =	vsel vm13, v61, v3  }
0x84: {  	s30 =	sand.u32 $0xFFFFFFF0, s29;
	[tilespmem:s28+$0x9120] =	vst v2  }
0x85: {  	v2 =	vld [tilespmem:s30+$0x9120];
	_ =	sdelay $0x3  }
0x86: {  	s0 =	sand.u32 $0xF, s29  }
0x87: {  	v3 =	vmov s0;
	v62 =	vadd.f32 $1.000000000e+00, v2  }
0x88: {  	vm14 =	veq.s32 v3, v1  }
0x89: {  	s10 =	spop (v2sf);
	v2 =	vsel vm14, v62, v2  }
0x8a: {  	s0 =	sand.u32 $0xFFFFFFF0, s10;
	[tilespmem:s30+$0x9120] =	vst v2  }
0x8b: {  	v2 =	vld [tilespmem:s0+$0x9120];
	_ =	sdelay $0x3  }
0x8c: {  	s31 =	sand.u32 $0xF, s10  }
0x8d: {  	v3 =	vmov s31;
	v63 =	vadd.f32 $1.000000000e+00, v2  }
0x8e: {  	vm15 =	veq.s32 v3, v1  }
0x8f: {  	s20 =	simm.s32 $0x80;
	s19 =	simm.s32 $0x40;
	v2 =	vsel vm15, v63, v2  }
.LBB2_4:
0x90: {  	p0 =	sne.s32 s20, $0x440  }
0x91: {  	s1 =	sshra.s32 s19, $0x2;
	[tilespmem:s0+$0x9120] =	vst v2;
	s19 =	smov.u32 s20;
	s20 =	sadd.s32 $0x40, s20  }
0x92: {  	v2 =	vld [tilespmem:s1+$0x0];
	_ =	sdelay $0x4  }
0x93: {  	(v2sf) =	vpush v2, $0x0  }
0x94: {  	(v2sf) =	vpush v2, $0x1  }
0x95: {  	(v2sf) =	vpush v2, $0x2  }
0x96: {  	(v2sf) =	vpush v2, $0x3  }
0x97: {  	(v2sf) =	vpush v2, $0x4  }
0x98: {  	(v2sf) =	vpush v2, $0x5  }
0x99: {  	(v2sf) =	vpush v2, $0x6  }
0x9a: {  	(v2sf) =	vpush v2, $0x7  }
0x9b: {  	(v2sf) =	vpush v2, $0x8  }
0x9c: {  	(v2sf) =	vpush v2, $0x9  }
0x9d: {  	(v2sf) =	vpush v2, $0xA  }
0x9e: {  	(v2sf) =	vpush v2, $0xB  }
0x9f: {  	(v2sf) =	vpush v2, $0xC  }
0xa0: {  	(v2sf) =	vpush v2, $0xD  }
0xa1: {  	(v2sf) =	vpush v2, $0xE  }
0xa2: {  	s0 =	spop (v2sf);
	(v2sf) =	vpush v2, $0xF  }
0xa3: {  	s21 =	sand.u32 $0xFFFFFFF0, s0;
	s0 =	sand.u32 $0xF, s0;
	s22 =	spop (v2sf)  }
0xa4: {  	v2 =	vld [tilespmem:s21+$0x9120];
	v3 =	vmov s0;
	s0 =	sand.u32 $0xF, s22;
	s13 =	spop (v2sf)  }
0xa5: {  	v10 =	vmov s0;
	s0 =	sand.u32 $0xF, s13;
	s10 =	spop (v2sf)  }
0xa6: {  	v11 =	vmov s0;
	s0 =	sand.u32 $0xF, s10;
	s1 =	spop (v2sf)  }
0xa7: {  	v12 =	vmov s0;
	s23 =	sand.u32 $0xF, s1;
	s0 =	spop (v2sf)  }
0xa8: {  	v13 =	vmov s23;
	s23 =	sand.u32 $0xF, s0;
	s31 =	spop (v2sf)  }
0xa9: {  	v4 =	vadd.f32 $1.000000000e+00, v2;
	v14 =	vmov s23;
	s23 =	sand.u32 $0xF, s31;
	s30 =	spop (v2sf)  }
0xaa: {  	vm0 =	veq.s32 v3, v1;
	v15 =	vmov s23;
	s23 =	sand.u32 $0xF, s30;
	s29 =	spop (v2sf)  }
0xab: {  	v2 =	vsel vm0, v4, v2;
	v16 =	vmov s23;
	s23 =	sand.u32 $0xF, s29;
	s28 =	spop (v2sf)  }
0xac: {  	s14 =	sand.u32 $0xFFFFFFF0, s22;
	[tilespmem:s21+$0x9120] =	vst v2;
	v9 =	vmov s23;
	s21 =	sand.u32 $0xF, s28;
	s26 =	spop (v2sf)  }
0xad: {  	v17 =	vld [tilespmem:s14+$0x9120];
	v8 =	vmov s21;
	s21 =	sand.u32 $0xF, s26;
	s25 =	spop (v2sf)  }
0xae: {  	v7 =	vmov s21;
	s21 =	sand.u32 $0xF, s25;
	s24 =	spop (v2sf)  }
0xaf: {  	v6 =	vmov s21;
	s21 =	sand.u32 $0xF, s24;
	s23 =	spop (v2sf)  }
0xb0: {  	v5 =	vmov s21;
	s21 =	sand.u32 $0xF, s23;
	s22 =	spop (v2sf)  }
0xb1: {  	v4 =	vmov s21;
	s15 =	sand.u32 $0xF, s22;
	s21 =	spop (v2sf)  }
0xb2: {  	v18 =	vadd.f32 $1.000000000e+00, v17;
	v3 =	vmov s15;
	s15 =	sand.u32 $0xF, s21  }
0xb3: {  	vm0 =	veq.s32 v10, v1;
	v2 =	vmov s15  }
0xb4: {  	v10 =	vsel vm0, v18, v17  }
0xb5: {  	s13 =	sand.u32 $0xFFFFFFF0, s13;
	[tilespmem:s14+$0x9120] =	vst v10  }
0xb6: {  	v10 =	vld [tilespmem:s13+$0x9120];
	_ =	sdelay $0x4  }
0xb7: {  	v17 =	vadd.f32 $1.000000000e+00, v10  }
0xb8: {  	vm0 =	veq.s32 v11, v1  }
0xb9: {  	v10 =	vsel vm0, v17, v10  }
0xba: {  	s10 =	sand.u32 $0xFFFFFFF0, s10;
	[tilespmem:s13+$0x9120] =	vst v10  }
0xbb: {  	v10 =	vld [tilespmem:s10+$0x9120];
	_ =	sdelay $0x4  }
0xbc: {  	v11 =	vadd.f32 $1.000000000e+00, v10  }
0xbd: {  	vm0 =	veq.s32 v12, v1  }
0xbe: {  	v10 =	vsel vm0, v11, v10  }
0xbf: {  	s1 =	sand.u32 $0xFFFFFFF0, s1;
	[tilespmem:s10+$0x9120] =	vst v10  }
0xc0: {  	v10 =	vld [tilespmem:s1+$0x9120];
	_ =	sdelay $0x4  }
0xc1: {  	v11 =	vadd.f32 $1.000000000e+00, v10  }
0xc2: {  	vm0 =	veq.s32 v13, v1  }
0xc3: {  	v10 =	vsel vm0, v11, v10  }
0xc4: {  	s0 =	sand.u32 $0xFFFFFFF0, s0;
	[tilespmem:s1+$0x9120] =	vst v10  }
0xc5: {  	v10 =	vld [tilespmem:s0+$0x9120];
	_ =	sdelay $0x4  }
0xc6: {  	v11 =	vadd.f32 $1.000000000e+00, v10  }
0xc7: {  	vm0 =	veq.s32 v14, v1  }
0xc8: {  	v10 =	vsel vm0, v11, v10  }
0xc9: {  	[tilespmem:s0+$0x9120] =	vst v10;
	s0 =	sand.u32 $0xFFFFFFF0, s31  }
0xca: {  	v10 =	vld [tilespmem:s0+$0x9120];
	_ =	sdelay $0x4  }
0xcb: {  	v11 =	vadd.f32 $1.000000000e+00, v10  }
0xcc: {  	vm0 =	veq.s32 v15, v1  }
0xcd: {  	v10 =	vsel vm0, v11, v10  }
0xce: {  	[tilespmem:s0+$0x9120] =	vst v10;
	s0 =	sand.u32 $0xFFFFFFF0, s30  }
0xcf: {  	v10 =	vld [tilespmem:s0+$0x9120];
	_ =	sdelay $0x4  }
0xd0: {  	v11 =	vadd.f32 $1.000000000e+00, v10  }
0xd1: {  	vm0 =	veq.s32 v16, v1  }
0xd2: {  	v10 =	vsel vm0, v11, v10  }
0xd3: {  	[tilespmem:s0+$0x9120] =	vst v10;
	s0 =	sand.u32 $0xFFFFFFF0, s29  }
0xd4: {  	v10 =	vld [tilespmem:s0+$0x9120];
	_ =	sdelay $0x4  }
0xd5: {  	v11 =	vadd.f32 $1.000000000e+00, v10  }
0xd6: {  	vm0 =	veq.s32 v9, v1  }
0xd7: {  	v9 =	vsel vm0, v11, v10  }
0xd8: {  	[tilespmem:s0+$0x9120] =	vst v9;
	s0 =	sand.u32 $0xFFFFFFF0, s28  }
0xd9: {  	v9 =	vld [tilespmem:s0+$0x9120];
	_ =	sdelay $0x4  }
0xda: {  	v10 =	vadd.f32 $1.000000000e+00, v9  }
0xdb: {  	vm0 =	veq.s32 v8, v1  }
0xdc: {  	v8 =	vsel vm0, v10, v9  }
0xdd: {  	[tilespmem:s0+$0x9120] =	vst v8;
	s0 =	sand.u32 $0xFFFFFFF0, s26  }
0xde: {  	v8 =	vld [tilespmem:s0+$0x9120];
	_ =	sdelay $0x4  }
0xdf: {  	v9 =	vadd.f32 $1.000000000e+00, v8  }
0xe0: {  	vm0 =	veq.s32 v7, v1  }
0xe1: {  	v7 =	vsel vm0, v9, v8  }
0xe2: {  	[tilespmem:s0+$0x9120] =	vst v7;
	s0 =	sand.u32 $0xFFFFFFF0, s25  }
0xe3: {  	v7 =	vld [tilespmem:s0+$0x9120];
	_ =	sdelay $0x4  }
0xe4: {  	v8 =	vadd.f32 $1.000000000e+00, v7  }
0xe5: {  	vm0 =	veq.s32 v6, v1  }
0xe6: {  	v6 =	vsel vm0, v8, v7  }
0xe7: {  	[tilespmem:s0+$0x9120] =	vst v6;
	s0 =	sand.u32 $0xFFFFFFF0, s24  }
0xe8: {  	v6 =	vld [tilespmem:s0+$0x9120];
	_ =	sdelay $0x4  }
0xe9: {  	v7 =	vadd.f32 $1.000000000e+00, v6  }
0xea: {  	vm0 =	veq.s32 v5, v1  }
0xeb: {  	v5 =	vsel vm0, v7, v6  }
0xec: {  	[tilespmem:s0+$0x9120] =	vst v5;
	s0 =	sand.u32 $0xFFFFFFF0, s23  }
0xed: {  	v5 =	vld [tilespmem:s0+$0x9120];
	_ =	sdelay $0x4  }
0xee: {  	v6 =	vadd.f32 $1.000000000e+00, v5  }
0xef: {  	vm0 =	veq.s32 v4, v1  }
0xf0: {  	v4 =	vsel vm0, v6, v5  }
0xf1: {  	[tilespmem:s0+$0x9120] =	vst v4;
	s0 =	sand.u32 $0xFFFFFFF0, s22  }
0xf2: {  	v4 =	vld [tilespmem:s0+$0x9120];
	_ =	sdelay $0x4  }
0xf3: {  	v5 =	vadd.f32 $1.000000000e+00, v4  }
0xf4: {  	vm0 =	veq.s32 v3, v1  }
0xf5: {  	v3 =	vsel vm0, v5, v4  }
0xf6: {  	[tilespmem:s0+$0x9120] =	vst v3;
	s0 =	sand.u32 $0xFFFFFFF0, s21  }
0xf7: {  	v3 =	vld [tilespmem:s0+$0x9120];
	_ =	sdelay $0x2  }
.Ltmp1:
0xf8: {  	(pc) =	sbr.rel @p0 .LBB2_4-.Ltmp1, $4  }
0xf9: {  	_ = 	snop  }
0xfa: {  	v4 =	vadd.f32 $1.000000000e+00, v3  }
0xfb: {  	vm0 =	veq.s32 v2, v1  }
0xfc: {  	v2 =	vsel vm0, v4, v3  }
0xfd: {  	s1 =	sshra.s32 s19, $0x2;
	[tilespmem:s0+$0x9120] =	vst v2  }
0xfe: {  	v2 =	vld [tilespmem:s1+$0x0];
	_ =	sdelay $0x4  }
0xff: {  	(v2sf) =	vpush v2, $0x0;
	_ =	sdelay $0x8  }
0x100: {  	(v2sf) =	vpush v2, $0x1;
	_ =	sdelay $0x5  }
0x101: {  	s10 =	spop (v2sf)  }
0x102: {  	s13 =	sand.u32 $0xFFFFFFF0, s10  }
0x103: {  	v3 =	vld [tilespmem:s13+$0x9120]  }
0x104: {  	(v2sf) =	vpush v2, $0x2;
	_ =	sdelay $0x2  }
0x105: {  	s0 =	sand.u32 $0xF, s10  }
0x106: {  	v4 =	vmov s0;
	v5 =	vadd.f32 $1.000000000e+00, v3  }
0x107: {  	vm0 =	veq.s32 v4, v1  }
0x108: {  	s14 =	spop (v2sf);
	v3 =	vsel vm0, v5, v3  }
0x109: {  	s15 =	sand.u32 $0xFFFFFFF0, s14;
	[tilespmem:s13+$0x9120] =	vst v3  }
0x10a: {  	v3 =	vld [tilespmem:s15+$0x9120]  }
0x10b: {  	(v2sf) =	vpush v2, $0x3;
	_ =	sdelay $0x2  }
0x10c: {  	s0 =	sand.u32 $0xF, s14  }
0x10d: {  	v4 =	vmov s0;
	v5 =	vadd.f32 $1.000000000e+00, v3  }
0x10e: {  	vm13 =	veq.s32 v4, v1  }
0x10f: {  	s19 =	spop (v2sf);
	v3 =	vsel vm13, v5, v3  }
0x110: {  	s20 =	sand.u32 $0xFFFFFFF0, s19;
	[tilespmem:s15+$0x9120] =	vst v3  }
0x111: {  	v3 =	vld [tilespmem:s20+$0x9120]  }
0x112: {  	(v2sf) =	vpush v2, $0x4;
	_ =	sdelay $0x2  }
0x113: {  	s0 =	sand.u32 $0xF, s19  }
0x114: {  	v4 =	vmov s0;
	v5 =	vadd.f32 $1.000000000e+00, v3  }
0x115: {  	vm14 =	veq.s32 v4, v1  }
0x116: {  	s21 =	spop (v2sf);
	v3 =	vsel vm14, v5, v3  }
0x117: {  	s22 =	sand.u32 $0xFFFFFFF0, s21;
	[tilespmem:s20+$0x9120] =	vst v3  }
0x118: {  	v3 =	vld [tilespmem:s22+$0x9120]  }
0x119: {  	(v2sf) =	vpush v2, $0x5;
	_ =	sdelay $0x2  }
0x11a: {  	s0 =	sand.u32 $0xF, s21  }
0x11b: {  	v4 =	vmov s0;
	v5 =	vadd.f32 $1.000000000e+00, v3  }
0x11c: {  	vm15 =	veq.s32 v4, v1  }
0x11d: {  	s23 =	spop (v2sf);
	v3 =	vsel vm15, v5, v3  }
0x11e: {  	s24 =	sand.u32 $0xFFFFFFF0, s23;
	[tilespmem:s22+$0x9120] =	vst v3  }
0x11f: {  	v3 =	vld [tilespmem:s24+$0x9120]  }
0x120: {  	(v2sf) =	vpush v2, $0x6;
	_ =	sdelay $0x2  }
0x121: {  	s0 =	sand.u32 $0xF, s23  }
0x122: {  	v4 =	vmov s0;
	v5 =	vadd.f32 $1.000000000e+00, v3  }
0x123: {  	vm4 =	veq.s32 v4, v1  }
0x124: {  	s25 =	spop (v2sf);
	v3 =	vsel vm4, v5, v3  }
0x125: {  	s26 =	sand.u32 $0xFFFFFFF0, s25;
	[tilespmem:s24+$0x9120] =	vst v3  }
0x126: {  	v3 =	vld [tilespmem:s26+$0x9120]  }
0x127: {  	(v2sf) =	vpush v2, $0x7;
	_ =	sdelay $0x2  }
0x128: {  	s0 =	sand.u32 $0xF, s25  }
0x129: {  	v4 =	vmov s0;
	v5 =	vadd.f32 $1.000000000e+00, v3  }
0x12a: {  	vm5 =	veq.s32 v4, v1  }
0x12b: {  	s28 =	spop (v2sf);
	v3 =	vsel vm5, v5, v3  }
0x12c: {  	s29 =	sand.u32 $0xFFFFFFF0, s28;
	[tilespmem:s26+$0x9120] =	vst v3  }
0x12d: {  	v3 =	vld [tilespmem:s29+$0x9120]  }
0x12e: {  	(v2sf) =	vpush v2, $0x8;
	_ =	sdelay $0x2  }
0x12f: {  	s0 =	sand.u32 $0xF, s28  }
0x130: {  	v4 =	vmov s0;
	v5 =	vadd.f32 $1.000000000e+00, v3  }
0x131: {  	vm6 =	veq.s32 v4, v1  }
0x132: {  	s30 =	spop (v2sf);
	v3 =	vsel vm6, v5, v3  }
0x133: {  	s31 =	sand.u32 $0xFFFFFFF0, s30;
	[tilespmem:s29+$0x9120] =	vst v3  }
0x134: {  	v3 =	vld [tilespmem:s31+$0x9120]  }
0x135: {  	(v2sf) =	vpush v2, $0x9;
	_ =	sdelay $0x2  }
0x136: {  	s0 =	sand.u32 $0xF, s30  }
0x137: {  	v4 =	vmov s0;
	v5 =	vadd.f32 $1.000000000e+00, v3  }
0x138: {  	vm7 =	veq.s32 v4, v1  }
0x139: {  	s10 =	spop (v2sf);
	v3 =	vsel vm7, v5, v3  }
0x13a: {  	s13 =	sand.u32 $0xFFFFFFF0, s10;
	[tilespmem:s31+$0x9120] =	vst v3  }
0x13b: {  	v3 =	vld [tilespmem:s13+$0x9120]  }
0x13c: {  	(v2sf) =	vpush v2, $0xA;
	_ =	sdelay $0x2  }
0x13d: {  	s0 =	sand.u32 $0xF, s10  }
0x13e: {  	v4 =	vmov s0;
	v5 =	vadd.f32 $1.000000000e+00, v3  }
0x13f: {  	vm8 =	veq.s32 v4, v1  }
0x140: {  	s14 =	spop (v2sf);
	v3 =	vsel vm8, v5, v3  }
0x141: {  	s15 =	sand.u32 $0xFFFFFFF0, s14;
	[tilespmem:s13+$0x9120] =	vst v3  }
0x142: {  	v3 =	vld [tilespmem:s15+$0x9120]  }
0x143: {  	(v2sf) =	vpush v2, $0xB;
	_ =	sdelay $0x2  }
0x144: {  	s0 =	sand.u32 $0xF, s14  }
0x145: {  	v4 =	vmov s0;
	v5 =	vadd.f32 $1.000000000e+00, v3  }
0x146: {  	vm9 =	veq.s32 v4, v1  }
0x147: {  	s19 =	spop (v2sf);
	v3 =	vsel vm9, v5, v3  }
0x148: {  	s20 =	sand.u32 $0xFFFFFFF0, s19;
	[tilespmem:s15+$0x9120] =	vst v3  }
0x149: {  	v3 =	vld [tilespmem:s20+$0x9120]  }
0x14a: {  	(v2sf) =	vpush v2, $0xC;
	_ =	sdelay $0x2  }
0x14b: {  	s0 =	sand.u32 $0xF, s19  }
0x14c: {  	v4 =	vmov s0;
	v5 =	vadd.f32 $1.000000000e+00, v3  }
0x14d: {  	vm10 =	veq.s32 v4, v1  }
0x14e: {  	s21 =	spop (v2sf);
	v3 =	vsel vm10, v5, v3  }
0x14f: {  	s22 =	sand.u32 $0xFFFFFFF0, s21;
	[tilespmem:s20+$0x9120] =	vst v3  }
0x150: {  	v3 =	vld [tilespmem:s22+$0x9120]  }
0x151: {  	(v2sf) =	vpush v2, $0xD;
	_ =	sdelay $0x2  }
0x152: {  	s0 =	sand.u32 $0xF, s21  }
0x153: {  	v4 =	vmov s0;
	v5 =	vadd.f32 $1.000000000e+00, v3  }
0x154: {  	vm11 =	veq.s32 v4, v1  }
0x155: {  	s23 =	spop (v2sf);
	v3 =	vsel vm11, v5, v3  }
0x156: {  	s24 =	sand.u32 $0xFFFFFFF0, s23;
	[tilespmem:s22+$0x9120] =	vst v3  }
0x157: {  	v3 =	vld [tilespmem:s24+$0x9120]  }
0x158: {  	(v2sf) =	vpush v2, $0xE;
	_ =	sdelay $0x2  }
0x159: {  	s0 =	sand.u32 $0xF, s23  }
0x15a: {  	v4 =	vmov s0;
	v5 =	vadd.f32 $1.000000000e+00, v3  }
0x15b: {  	vm12 =	veq.s32 v4, v1  }
0x15c: {  	s25 =	spop (v2sf);
	v3 =	vsel vm12, v5, v3  }
0x15d: {  	s26 =	sand.u32 $0xFFFFFFF0, s25;
	[tilespmem:s24+$0x9120] =	vst v3  }
0x15e: {  	v3 =	vld [tilespmem:s26+$0x9120]  }
0x15f: {  	(v2sf) =	vpush v2, $0xF;
	_ =	sdelay $0x2  }
0x160: {  	s0 =	sand.u32 $0xF, s25  }
0x161: {  	v2 =	vmov s0;
	v4 =	vadd.f32 $1.000000000e+00, v3  }
0x162: {  	vm13 =	veq.s32 v2, v1  }
0x163: {  	s28 =	spop (v2sf);
	v2 =	vsel vm13, v4, v3  }
0x164: {  	s29 =	sand.u32 $0xFFFFFFF0, s28;
	[tilespmem:s26+$0x9120] =	vst v2  }
0x165: {  	v2 =	vld [tilespmem:s29+$0x9120];
	_ =	sdelay $0x3  }
0x166: {  	s0 =	sand.u32 $0xF, s28  }
0x167: {  	v3 =	vmov s0;
	v4 =	vadd.f32 $1.000000000e+00, v2  }
0x168: {  	vm14 =	veq.s32 v3, v1  }
0x169: {  	s30 =	spop (v2sf);
	v2 =	vsel vm14, v4, v2  }
0x16a: {  	s31 =	sand.u32 $0xFFFFFFF0, s30;
	[tilespmem:s29+$0x9120] =	vst v2  }
0x16b: {  	v2 =	vld [tilespmem:s31+$0x9120];
	_ =	sdelay $0x3  }
0x16c: {  	s0 =	sand.u32 $0xF, s30  }
0x16d: {  	v3 =	vmov s0;
	v4 =	vadd.f32 $1.000000000e+00, v2  }
0x16e: {  	vm15 =	veq.s32 v3, v1  }
0x16f: {  	v2 =	vsel vm15, v4, v2  }
0x170: {  	[tilespmem:s31+$0x9120] =	vst v2  }
0x171: {  	_ =	swait.ge [sflag:s16], $0x4800  }
0x172: {  	[sflag:s16] =	ssyncset.done $0x0  }
0x173: {  	[sflag:s16] =	ssyncadd.s32 $0xFFFFB800  }
0x174: {  	_ =	swait.ge [sflag:s16], $0x1800  }
0x175: {  	[sflag:s16] =	ssyncset.done $0x0  }
0x176: {  	[sflag:s16] =	ssyncadd.s32 $0xFFFFE800  }
0x177: {  	_ =	swait.ge [sflag:s16], $0x1800  }
0x178: {  	[sflag:s16] =	ssyncset.done $0x0  }
0x179: {  	[sflag:s16] =	ssyncadd.s32 $0xFFFFE800  }
0x17a: {  	_ =	swait.ge [sflag:s16], $0x1800  }
0x17b: {  	[sflag:s16] =	ssyncset.done $0x0  }
0x17c: {  	s0 =	simm.s32 $0x0;
	[sflag:s16] =	ssyncadd.s32 $0xFFFFE800  }
0x17d: {  	v4 =	vld [tilespmem:s0+$0x4920]  }
0x17e: {  	v5 =	vld [tilespmem:s0+$0x4930]  }
0x17f: {  	v2 =	vld [tilespmem:s0+$0x4940]  }
0x180: {  	v3 =	vld [tilespmem:s0+$0x4950]  }
0x181: {  	v6 =	vld [tilespmem:s0+$0x120]  }
0x182: {  	v8 =	vld [tilespmem:s0+$0x130]  }
0x183: {  	s1 =	simm.s32 $0x100;
	v7 =	vld [tilespmem:s0+$0x140]  }
.LBB2_6:
0x184: {  	p0 =	sne.s32 s1, $0x11F00;
	v9 =	vld [tilespmem:s0+$0x150];
	v10 =	vmov v2  }
0x185: {  	v11 =	vmov v3  }
0x186: {  	s10 =	sshra.s32 s1, $0x2;
	v2 =	vsub.f32 v6, v4  }
0x187: {  	v12 =	vld [tilespmem:s10+$0x4920];
	v3 =	vsub.f32 v8, v5  }
0x188: {  	v13 =	vld [tilespmem:s10+$0x4930];
	v4 =	vadd.f32 v2, v4;
	v6 =	vsub.f32 v7, v10  }
.Ltmp2:
0x189: {  	v2 =	vld [tilespmem:s10+$0x4940];
	v5 =	vadd.f32 v3, v5;
	v7 =	vsub.f32 v9, v11;
	(pc) =	sbr.rel @p0 .LBB2_6-.Ltmp2, $4  }
0x18a: {  	v3 =	vld [tilespmem:s10+$0x4950];
	[tilespmem:s0+$0x120] =	vst v4;
	v9 =	vadd.f32 v6, v10  }
0x18b: {  	v6 =	vld [tilespmem:s10+$0x120];
	[tilespmem:s0+$0x130] =	vst v5;
	v10 =	vadd.f32 v7, v11  }
0x18c: {  	v8 =	vld [tilespmem:s10+$0x130];
	[tilespmem:s0+$0x140] =	vst v9;
	v4 =	vmov v12  }
0x18d: {  	s1 =	sadd.s32 $0x100, s1;
	v7 =	vld [tilespmem:s10+$0x140];
	[tilespmem:s0+$0x150] =	vst v10;
	v5 =	vmov v13;
	s0 =	smov.u32 s10  }
0x18e: {  	v9 =	vld [tilespmem:s0+$0x150];
	_ =	sdelay $0x1  }
0x18f: {  	v6 =	vsub.f32 v6, v4  }
0x190: {  	v8 =	vsub.f32 v8, v5  }
0x191: {  	v4 =	vadd.f32 v6, v4;
	v62 =	vsub.f32 v7, v2  }
0x192: {  	v5 =	vadd.f32 v8, v5;
	v63 =	vsub.f32 v9, v3  }
0x193: {  	[tilespmem:s0+$0x120] =	vst v4;
	v2 =	vadd.f32 v62, v2  }
0x194: {  	[tilespmem:s0+$0x130] =	vst v5;
	v3 =	vadd.f32 v63, v3  }
0x195: {  	[tilespmem:s0+$0x140] =	vst v2  }
0x196: {  	[tilespmem:s0+$0x150] =	vst v3  }
0x197: {  	[hbm4b:s6+s2] =	stream.linear.scatter [tilespmem:s12], [sflag:$0x2], $0x4800, $0x38;
	[tilespmem:$0xB120] =	vst v63  }
0x198: {  	s18 =	sadd.s32 $0x1, s18;
	_ =	swait.ge [sflag:s9], $0x4800  }
0x199: {  	p0 =	sne.s32 s18, s8;
	[sflag:s9] =	ssyncset.done $0x0  }
.Ltmp3:
0x19a: {  	[sflag:s9] =	ssyncadd.s32 $0xFFFFB800;
	(pc) =	sbr.rel @p0 .LBB2_1-.Ltmp3, $4  }
0x19b: {  	[hbm4b:s7+s2] =	stream.linear.scatter [tilespmem:s17], [sflag:$0x2], $0x2000, $0x38;
	[tilespmem:$0xB120] =	vst v63  }
0x19c: {  	_ =	swait.ge [sflag:s9], $0x2000  }
0x19d: {  	[sflag:s9] =	ssyncset.done $0x0  }
0x19e: {  	[sflag:s9] =	ssyncadd.s32 $0xFFFFE000  }
0x19f: {  	_ =	sfence.sel $0x180000  }
0x1a0: {  	[bflag:$0x0] =	sbarrier.arrive $0xFFFF  }
0x1a1: {  	_ =	strace $0x90000047  }
0x1a2: {  	s0 =	stileid.u32;
	[bflag:$0x2] =	sbarrier.arrive $0xFFFF  }
0x1a3: {  	p0 =	sne.s32 s0, $0x0;
	s0 =	rddreg [dreg:$0x2]  }
0x1a4: {  	s0 =	sadd.s32 @!p0 $0x100000, s0  }
0x1a5: {  	[sflag:s0] =	ssyncadd.tile.s32 @!p0 $0x1;
	_ =	shalt  }
.Lfunc_end2:
_tile_overlayer_lowered:
.L_overlay_start_2:
0x1a6: {  	(tag) =	ssettag $0x2  }
0x1a7: {  	s0 =	rddreg [dreg:$0x0];
	s2 =	stileid.u32  }
0x1a8: {  	s1 =	rddreg [dreg:$0x1];
	p0 =	sne.s32 s2, $0x0  }
0x1a9: {  	s3 =	rddreg [dreg:$0x2];
	[bflag:$0x3] =	sbarrier.arrive $0xFFFF;
	s2 =	simm.s32 @!p0 $0x1C02  }
0x1aa: {  	[timem:s3], [sflag:s2] =	dma.local @!p0 [hbm:s0], s1  }
0x1ab: {  	s0 =	simm.s32 @!p0 $0x2  }
0x1ac: {  	_ =	swait.ge @!p0 [sflag:s0], s1  }
0x1ad: {  	s1 =	ssub.s32 @!p0 $0x0, s1;
	[sflag:s0] =	ssyncset.done @!p0 $0x0  }
0x1ae: {  	[sflag:s0] =	ssyncadd.s32 @!p0 s1  }
0x1af: {  	[bflag:$0x3] =	sbarrier.arrive $0xFFFF  }
0x1b0: {  	_ =	shalt  }

</sc_bundles>
